<compile_context>
chip_gen: v7x
topology: tpu7x:2x2x1
jax: 0.10.2.dev20260603
libtpu: 0.0.44.dev20260713+nightly
codegen_flags: <defaults>
</compile_context>

<pallas_src>
import functools

import jax
import jax.numpy as jnp
from jax import lax
from jax.experimental import pallas as pl
from jax.experimental.pallas import tpu as pltpu
from jax.experimental.pallas import tpu_sc as plsc

_NW = 32
_CH = 31232
_NSEG = 2
_SEG = _CH // _NSEG
_LN2 = 0.6931471805599453
_SQRT2 = 1.4142135623730951


def _threefry2x32(x0, x1):
    ks0 = jnp.uint32(0)
    ks1 = jnp.uint32(1)
    ks2 = jnp.uint32(0x1BD11BDA) ^ ks0 ^ ks1
    ks = (ks0, ks1, ks2)
    rotations = ((13, 15, 26, 6), (17, 29, 16, 24))
    x0 = x0 + ks0
    x1 = x1 + ks1
    for i in range(5):
        for r in rotations[i % 2]:
            x0 = x0 + x1
            x1 = (x1 << r) | (x1 >> (32 - r))
            x1 = x1 ^ x0
        x0 = x0 + ks[(i + 1) % 3]
        x1 = x1 + ks[(i + 2) % 3] + jnp.uint32(i + 1)
    return x0, x1


def _bits_to_unit_float(bits):
    fb = (bits >> 9) | jnp.uint32(0x3F800000)
    return jax.lax.bitcast_convert_type(fb, jnp.float32) - 1.0


def _sample_row_vectors(p0, p1, p2, p3, u):
    c1 = p0 + p1
    c2 = c1 + p2
    c3 = c2 + p3
    g0 = u > p0
    g1 = u > c1
    g2 = u > c2
    g3 = u > c3
    one = jnp.ones_like(p0, dtype=jnp.int32)
    zero = jnp.zeros_like(one)
    ch = (jnp.where(g0, one, zero) + jnp.where(g1, one, zero)
          + jnp.where(g2, one, zero) + jnp.where(g3, one, zero))
    rp = jnp.where(g2, p3, jnp.where(g1, p2, jnp.where(g0, p1, p0)))
    return ch, rp


def _log_poly(rp):
    br = jax.lax.bitcast_convert_type(rp, jnp.uint32)
    ef = (((br >> 23) & jnp.uint32(0xFF)).astype(jnp.int32)
          - 127).astype(jnp.float32)
    m = jax.lax.bitcast_convert_type(
        (br & jnp.uint32(0x7FFFFF)) | jnp.uint32(0x3F800000), jnp.float32)
    big = m > _SQRT2
    m = jnp.where(big, m * 0.5, m)
    ef = jnp.where(big, ef + 1.0, ef)
    t = (m - 1.0) / (m + 1.0)
    z = t * t
    pol = t * (2.0 + z * (0.66666667 + z * (0.4 + z * 0.28571429)))
    return ef * _LN2 + pol


def _make_sc_kernel(NSC):
    mesh = plsc.VectorSubcoreMesh(core_axis_name="c", subcore_axis_name="s")

    @functools.partial(
        pl.kernel,
        out_type=[
            jax.ShapeDtypeStruct((NSC,), jnp.int32),
            jax.ShapeDtypeStruct((_NW, 16), jnp.float32),
        ],
        mesh=mesh,
        scratch_types=[
            pltpu.VMEM((4, _SEG), jnp.float32),
            pltpu.VMEM((_SEG,), jnp.float32),
            pltpu.VMEM((_SEG,), jnp.int32),
            pltpu.VMEM((16,), jnp.float32),
        ],
    )
    def sc_kernel(pt_hbm, q_hbm, ch_hbm, lp_hbm, p_v, q_v, c_v, a_v):
        wid = lax.axis_index("s") * 2 + lax.axis_index("c")
        wbase = wid * _CH
        lane = lax.iota(jnp.int32, 16).astype(jnp.uint32)

        acc = jnp.zeros((16,), jnp.float32)
        for s in range(_NSEG):
            base = pl.multiple_of(wbase + s * _SEG, 128)
            pltpu.sync_copy(pt_hbm.at[:, pl.ds(base, _SEG)], p_v)
            pltpu.sync_copy(q_hbm.at[pl.ds(base, _SEG)], q_v)

            def body(j, acc, base=base):
                sl = pl.ds(j * 16, 16)
                ctr = (jnp.uint32(base) + (j * 16).astype(jnp.uint32)
                       + lane)
                b0, b1 = _threefry2x32(jnp.zeros((16,), jnp.uint32), ctr)
                u = _bits_to_unit_float(b0 ^ b1)
                ch, rp = _sample_row_vectors(
                    p_v[0, sl], p_v[1, sl], p_v[2, sl], p_v[3, sl], u)
                c_v[sl] = ch
                return acc + q_v[sl] * _log_poly(rp)

            acc = lax.fori_loop(0, _SEG // 16, body, acc)
            pltpu.sync_copy(c_v, ch_hbm.at[pl.ds(base, _SEG)])

        a_v[...] = acc
        pltpu.sync_copy(a_v, lp_hbm.at[wid])

    return sc_kernel


_NSC = _NW * _CH
_SC_KERNEL = _make_sc_kernel(_NSC)


def kernel(pmfs, q_values):
    B, A = pmfs.shape
    assert A == 4
    pt = pmfs.T

    ch_sc, lp_sc = _SC_KERNEL(pt, q_values)

    tail = B - _NSC
    pm_t = lax.slice(pmfs, (_NSC, 0), (B, 4))
    ctr = jnp.uint32(_NSC) + lax.iota(jnp.uint32, tail)
    b0, b1 = _threefry2x32(jnp.zeros_like(ctr), ctr)
    u_t = _bits_to_unit_float(b0 ^ b1)
    ch_t, rp_t = _sample_row_vectors(
        pm_t[:, 0], pm_t[:, 1], pm_t[:, 2], pm_t[:, 3], u_t)
    tail_sum = jnp.sum(lax.slice(q_values, (_NSC,), (B,)) * jnp.log(rp_t))

    loss = -(jnp.sum(lp_sc) + tail_sum) / B
    return (loss, jnp.concatenate([ch_sc, ch_t]))

# --- scband reference (transcript-rebuilt; emitter-appended) ---
"""Pipeline reference for scband-grid-world-actor-model-13623636262974 (READ-ONLY COPY).

The authoritative reference and input builder live on the scoring server;
editing this copy changes nothing except your own understanding.
"""

import jax, jax.numpy as jnp
import numpy as np

B = 1000000
A = 4

def setup_inputs(seed: int = 0) -> dict:
    key = jax.random.key(seed)
    k1, k2 = jax.random.split(key)
    pmfs = jax.random.uniform(k1, (B, A), dtype=jnp.float32)
    # pmfs are probability mass functions over actions -> normalize rows
    pmfs = pmfs / jnp.sum(pmfs, axis=-1, keepdims=True)
    q_values = jax.random.normal(k2, (B,), dtype=jnp.float32)
    return {"pmfs": pmfs, "q_values": q_values}


def reference(pmfs, q_values):
    # --- GridWorldActorModel.sample_actions ---
    # cdfs = pmfs.cumsum(-1); u = rand(B,1); choices = (u > cdfs).sum(-1)
    cdfs = jnp.cumsum(pmfs, axis=-1)
    u = jax.random.uniform(jax.random.key(1), (cdfs.shape[0], 1), dtype=jnp.float32)
    choices = jnp.sum(u > cdfs, axis=-1).astype(jnp.int32)

    # --- GridWorldActorModel.get_loss ---
    # relevant_probs = action_probs[arange(B), action_choices]
    relevant_probs = pmfs[jnp.arange(pmfs.shape[0]), choices]
    relevant_log_probs = jnp.log(relevant_probs)
    loss = -jnp.mean(jax.lax.stop_gradient(q_values) * relevant_log_probs)
    return (loss, choices)

if __name__ == "__main__":
    import jax
    _d = setup_inputs()
    print(jax.jit(kernel)(*tuple(_d.values())))

</pallas_src>

<mosaic_0001>
#map = affine_map<(d0, d1) -> (0, 0)>
#map1 = affine_map<(d0, d1) -> (0)>
module attributes {stable_mosaic.version = 14 : i64} {
  func.func @sc_kernel(%arg0: i32, %arg1: i32, %arg2: memref<4x1000000xf32, #tpu.memory_space<hbm>>, %arg3: memref<1000000xf32, #tpu.memory_space<hbm>>, %arg4: memref<999424xi32, #tpu.memory_space<hbm>>, %arg5: memref<32x16xf32, #tpu.memory_space<hbm>>, %arg6: memref<4x15616xf32, #tpu.memory_space<vmem>>, %arg7: memref<15616xf32, #tpu.memory_space<vmem>>, %arg8: memref<15616xi32, #tpu.memory_space<vmem>>, %arg9: memref<16xf32, #tpu.memory_space<vmem>>) attributes {dimension_semantics = [#tpu.dimension_semantics<core_parallel>, #tpu.dimension_semantics<subcore_parallel>], iteration_bounds = array<i64: 2, 16>, scalar_prefetch = 0 : i64, scratch_operands = 4 : i64, tpu.core_type = #tpu.core_type<sc_vector_subcore>, window_params = [{transform_indices = #map}, {transform_indices = #map1}, {transform_indices = #map1}, {transform_indices = #map}]} {
    %mul3A = arith.constant 2 : i32
    %mul3A_0 = arith.muli %arg1, %mul3A : i32
    %add3A = arith.addi %mul3A_0, %arg0 : i32
    %mul3A_1 = arith.constant 31232 : i32
    %mul3A_2 = arith.muli %add3A, %mul3A_1 : i32
    %iota3A = tpu.iota {dimensions = array<i32: 0>} : vector<16xi32>
    %broadcast_in_dim3A = arith.constant 0.000000e+00 : f32
    %broadcast_in_dim3A_3 = vector.broadcast %broadcast_in_dim3A : f32 to vector<16xf32>
    %add3A_4 = arith.constant 0 : i32
    %add3A_5 = arith.addi %mul3A_2, %add3A_4 : i32
    %multiple_of3A = tpu.assume_multiple %add3A_5, 128 : i32
    "tpu.region"() ({
      %run_scoped3A = tpu.sem_alloc : memref<!tpu.dma_semaphore, #tpu.memory_space<semaphore_mem>>
      %dma_start3A = arith.constant 0 : i32
      %dma_start3A_23 = tpu.memref_slice %arg2[%dma_start3A, %multiple_of3A] : memref<4x1000000xf32, #tpu.memory_space<hbm>> -> memref<4x15616xf32, #tpu.memory_space<hbm>>
      %dma_start3A_24 = arith.constant 0 : i32
      %dma_start3A_25 = tpu.memref_slice %arg2[%dma_start3A_24, %multiple_of3A] : memref<4x1000000xf32, #tpu.memory_space<hbm>> -> memref<4x15616xf32, #tpu.memory_space<hbm>>
      tpu.enqueue_dma source(%dma_start3A_25 : memref<4x15616xf32, #tpu.memory_space<hbm>>) target(%arg6 : memref<4x15616xf32, #tpu.memory_space<vmem>>) target_semaphore(%run_scoped3A : memref<!tpu.dma_semaphore, #tpu.memory_space<semaphore_mem>>)
      %dma_wait3A = arith.constant 0 : i32
      %dma_wait3A_26 = tpu.memref_slice %arg2[%dma_wait3A, %multiple_of3A] : memref<4x1000000xf32, #tpu.memory_space<hbm>> -> memref<4x15616xf32, #tpu.memory_space<hbm>>
      %dma_wait3A_27 = arith.constant 0 : i32
      %dma_wait3A_28 = tpu.memref_slice %arg2[%dma_wait3A_27, %multiple_of3A] : memref<4x1000000xf32, #tpu.memory_space<hbm>> -> memref<4x15616xf32, #tpu.memory_space<hbm>>
      tpu.wait_dma2 semaphore(%run_scoped3A : memref<!tpu.dma_semaphore, #tpu.memory_space<semaphore_mem>>) src(%dma_wait3A_28 : memref<4x15616xf32, #tpu.memory_space<hbm>>) dst(%arg6 : memref<4x15616xf32, #tpu.memory_space<vmem>>)
      tpu.yield
    }) : () -> ()
    "tpu.region"() ({
      %run_scoped3A = tpu.sem_alloc : memref<!tpu.dma_semaphore, #tpu.memory_space<semaphore_mem>>
      %dma_start3A = tpu.memref_slice %arg3[%multiple_of3A] : memref<1000000xf32, #tpu.memory_space<hbm>> -> memref<15616xf32, #tpu.memory_space<hbm>>
      %dma_start3A_23 = tpu.memref_slice %arg3[%multiple_of3A] : memref<1000000xf32, #tpu.memory_space<hbm>> -> memref<15616xf32, #tpu.memory_space<hbm>>
      tpu.enqueue_dma source(%dma_start3A_23 : memref<15616xf32, #tpu.memory_space<hbm>>) target(%arg7 : memref<15616xf32, #tpu.memory_space<vmem>>) target_semaphore(%run_scoped3A : memref<!tpu.dma_semaphore, #tpu.memory_space<semaphore_mem>>)
      %dma_wait3A = tpu.memref_slice %arg3[%multiple_of3A] : memref<1000000xf32, #tpu.memory_space<hbm>> -> memref<15616xf32, #tpu.memory_space<hbm>>
      %dma_wait3A_24 = tpu.memref_slice %arg3[%multiple_of3A] : memref<1000000xf32, #tpu.memory_space<hbm>> -> memref<15616xf32, #tpu.memory_space<hbm>>
      tpu.wait_dma2 semaphore(%run_scoped3A : memref<!tpu.dma_semaphore, #tpu.memory_space<semaphore_mem>>) src(%dma_wait3A_24 : memref<15616xf32, #tpu.memory_space<hbm>>) dst(%arg7 : memref<15616xf32, #tpu.memory_space<vmem>>)
      tpu.yield
    }) : () -> ()
    %scan3A = arith.constant 0 : i32
    %scan3A_6 = arith.constant 976 : i32
    %scan3A_7 = arith.addi %scan3A, %scan3A_6 : i32
    %scan3A_8 = arith.constant 1 : i32
    %scan3A_9 = scf.for %scan3A_23 = %scan3A to %scan3A_7 step %scan3A_8 iter_args(%scan3A_24 = %broadcast_in_dim3A_3) -> (vector<16xf32>)  : i32 {
      %mul3A_25 = arith.constant 16 : i32
      %mul3A_26 = arith.muli %scan3A_23, %mul3A_25 : i32
      %mul3A_27 = arith.constant 16 : i32
      %mul3A_28 = arith.muli %scan3A_23, %mul3A_27 : i32
      %add3A_29 = arith.addi %multiple_of3A, %mul3A_28 : i32
      %add3A_30 = vector.broadcast %add3A_29 : i32 to vector<16xi32>
      %add3A_31 = arith.addi %add3A_30, %iota3A : vector<16xi32>
      %broadcast_in_dim3A_32 = arith.constant 0 : i32
      %broadcast_in_dim3A_33 = vector.broadcast %broadcast_in_dim3A_32 : i32 to vector<16xi32>
      %xor3A = arith.constant 466688986 : i32
      %xor3A_34 = arith.constant 0 : i32
      %xor3A_35 = arith.xori %xor3A, %xor3A_34 : i32
      %xor3A_36 = arith.constant 1 : i32
      %xor3A_37 = arith.xori %xor3A_35, %xor3A_36 : i32
      %add3A_38 = arith.constant 0 : i32
      %add3A_39 = vector.broadcast %add3A_38 : i32 to vector<16xi32>
      %add3A_40 = arith.addi %broadcast_in_dim3A_33, %add3A_39 : vector<16xi32>
      %add3A_41 = arith.constant 1 : i32
      %add3A_42 = vector.broadcast %add3A_41 : i32 to vector<16xi32>
      %add3A_43 = arith.addi %add3A_31, %add3A_42 : vector<16xi32>
      %add3A_44 = arith.addi %add3A_40, %add3A_43 : vector<16xi32>
      %shift_left3A = arith.constant 13 : i32
      %shift_left3A_45 = vector.broadcast %shift_left3A : i32 to vector<16xi32>
      %shift_left3A_46 = arith.shli %add3A_43, %shift_left3A_45 : vector<16xi32>
      %shift_right_logical3A = arith.constant 19 : i32
      %shift_right_logical3A_47 = vector.broadcast %shift_right_logical3A : i32 to vector<16xi32>
      %shift_right_logical3A_48 = arith.shrui %add3A_43, %shift_right_logical3A_47 : vector<16xi32>
      %or3A = arith.ori %shift_left3A_46, %shift_right_logical3A_48 : vector<16xi32>
      %xor3A_49 = arith.xori %or3A, %add3A_44 : vector<16xi32>
      %add3A_50 = arith.addi %add3A_44, %xor3A_49 : vector<16xi32>
      %shift_left3A_51 = arith.constant 15 : i32
      %shift_left3A_52 = vector.broadcast %shift_left3A_51 : i32 to vector<16xi32>
      %shift_left3A_53 = arith.shli %xor3A_49, %shift_left3A_52 : vector<16xi32>
      %shift_right_logical3A_54 = arith.constant 17 : i32
      %shift_right_logical3A_55 = vector.broadcast %shift_right_logical3A_54 : i32 to vector<16xi32>
      %shift_right_logical3A_56 = arith.shrui %xor3A_49, %shift_right_logical3A_55 : vector<16xi32>
      %or3A_57 = arith.ori %shift_left3A_53, %shift_right_logical3A_56 : vector<16xi32>
      %xor3A_58 = arith.xori %or3A_57, %add3A_50 : vector<16xi32>
      %add3A_59 = arith.addi %add3A_50, %xor3A_58 : vector<16xi32>
      %shift_left3A_60 = arith.constant 26 : i32
      %shift_left3A_61 = vector.broadcast %shift_left3A_60 : i32 to vector<16xi32>
      %shift_left3A_62 = arith.shli %xor3A_58, %shift_left3A_61 : vector<16xi32>
      %shift_right_logical3A_63 = arith.constant 6 : i32
      %shift_right_logical3A_64 = vector.broadcast %shift_right_logical3A_63 : i32 to vector<16xi32>
      %shift_right_logical3A_65 = arith.shrui %xor3A_58, %shift_right_logical3A_64 : vector<16xi32>
      %or3A_66 = arith.ori %shift_left3A_62, %shift_right_logical3A_65 : vector<16xi32>
      %xor3A_67 = arith.xori %or3A_66, %add3A_59 : vector<16xi32>
      %add3A_68 = arith.addi %add3A_59, %xor3A_67 : vector<16xi32>
      %shift_left3A_69 = arith.constant 6 : i32
      %shift_left3A_70 = vector.broadcast %shift_left3A_69 : i32 to vector<16xi32>
      %shift_left3A_71 = arith.shli %xor3A_67, %shift_left3A_70 : vector<16xi32>
      %shift_right_logical3A_72 = arith.constant 26 : i32
      %shift_right_logical3A_73 = vector.broadcast %shift_right_logical3A_72 : i32 to vector<16xi32>
      %shift_right_logical3A_74 = arith.shrui %xor3A_67, %shift_right_logical3A_73 : vector<16xi32>
      %or3A_75 = arith.ori %shift_left3A_71, %shift_right_logical3A_74 : vector<16xi32>
      %xor3A_76 = arith.xori %or3A_75, %add3A_68 : vector<16xi32>
      %add3A_77 = arith.constant 1 : i32
      %add3A_78 = vector.broadcast %add3A_77 : i32 to vector<16xi32>
      %add3A_79 = arith.addi %add3A_68, %add3A_78 : vector<16xi32>
      %add3A_80 = vector.broadcast %xor3A_37 : i32 to vector<16xi32>
      %add3A_81 = arith.addi %xor3A_76, %add3A_80 : vector<16xi32>
      %add3A_82 = arith.constant 1 : i32
      %add3A_83 = vector.broadcast %add3A_82 : i32 to vector<16xi32>
      %add3A_84 = arith.addi %add3A_81, %add3A_83 : vector<16xi32>
      %add3A_85 = arith.addi %add3A_79, %add3A_84 : vector<16xi32>
      %shift_left3A_86 = arith.constant 17 : i32
      %shift_left3A_87 = vector.broadcast %shift_left3A_86 : i32 to vector<16xi32>
      %shift_left3A_88 = arith.shli %add3A_84, %shift_left3A_87 : vector<16xi32>
      %shift_right_logical3A_89 = arith.constant 15 : i32
      %shift_right_logical3A_90 = vector.broadcast %shift_right_logical3A_89 : i32 to vector<16xi32>
      %shift_right_logical3A_91 = arith.shrui %add3A_84, %shift_right_logical3A_90 : vector<16xi32>
      %or3A_92 = arith.ori %shift_left3A_88, %shift_right_logical3A_91 : vector<16xi32>
      %xor3A_93 = arith.xori %or3A_92, %add3A_85 : vector<16xi32>
      %add3A_94 = arith.addi %add3A_85, %xor3A_93 : vector<16xi32>
      %shift_left3A_95 = arith.constant 29 : i32
      %shift_left3A_96 = vector.broadcast %shift_left3A_95 : i32 to vector<16xi32>
      %shift_left3A_97 = arith.shli %xor3A_93, %shift_left3A_96 : vector<16xi32>
      %shift_right_logical3A_98 = arith.constant 3 : i32
      %shift_right_logical3A_99 = vector.broadcast %shift_right_logical3A_98 : i32 to vector<16xi32>
      %shift_right_logical3A_100 = arith.shrui %xor3A_93, %shift_right_logical3A_99 : vector<16xi32>
      %or3A_101 = arith.ori %shift_left3A_97, %shift_right_logical3A_100 : vector<16xi32>
      %xor3A_102 = arith.xori %or3A_101, %add3A_94 : vector<16xi32>
      %add3A_103 = arith.addi %add3A_94, %xor3A_102 : vector<16xi32>
      %shift_left3A_104 = arith.constant 16 : i32
      %shift_left3A_105 = vector.broadcast %shift_left3A_104 : i32 to vector<16xi32>
      %shift_left3A_106 = arith.shli %xor3A_102, %shift_left3A_105 : vector<16xi32>
      %shift_right_logical3A_107 = arith.constant 16 : i32
      %shift_right_logical3A_108 = vector.broadcast %shift_right_logical3A_107 : i32 to vector<16xi32>
      %shift_right_logical3A_109 = arith.shrui %xor3A_102, %shift_right_logical3A_108 : vector<16xi32>
      %or3A_110 = arith.ori %shift_left3A_106, %shift_right_logical3A_109 : vector<16xi32>
      %xor3A_111 = arith.xori %or3A_110, %add3A_103 : vector<16xi32>
      %add3A_112 = arith.addi %add3A_103, %xor3A_111 : vector<16xi32>
      %shift_left3A_113 = arith.constant 24 : i32
      %shift_left3A_114 = vector.broadcast %shift_left3A_113 : i32 to vector<16xi32>
      %shift_left3A_115 = arith.shli %xor3A_111, %shift_left3A_114 : vector<16xi32>
      %shift_right_logical3A_116 = arith.constant 8 : i32
      %shift_right_logical3A_117 = vector.broadcast %shift_right_logical3A_116 : i32 to vector<16xi32>
      %shift_right_logical3A_118 = arith.shrui %xor3A_111, %shift_right_logical3A_117 : vector<16xi32>
      %or3A_119 = arith.ori %shift_left3A_115, %shift_right_logical3A_118 : vector<16xi32>
      %xor3A_120 = arith.xori %or3A_119, %add3A_112 : vector<16xi32>
      %add3A_121 = vector.broadcast %xor3A_37 : i32 to vector<16xi32>
      %add3A_122 = arith.addi %add3A_112, %add3A_121 : vector<16xi32>
      %add3A_123 = arith.constant 0 : i32
      %add3A_124 = vector.broadcast %add3A_123 : i32 to vector<16xi32>
      %add3A_125 = arith.addi %xor3A_120, %add3A_124 : vector<16xi32>
      %add3A_126 = arith.constant 2 : i32
      %add3A_127 = vector.broadcast %add3A_126 : i32 to vector<16xi32>
      %add3A_128 = arith.addi %add3A_125, %add3A_127 : vector<16xi32>
      %add3A_129 = arith.addi %add3A_122, %add3A_128 : vector<16xi32>
      %shift_left3A_130 = arith.constant 13 : i32
      %shift_left3A_131 = vector.broadcast %shift_left3A_130 : i32 to vector<16xi32>
      %shift_left3A_132 = arith.shli %add3A_128, %shift_left3A_131 : vector<16xi32>
      %shift_right_logical3A_133 = arith.constant 19 : i32
      %shift_right_logical3A_134 = vector.broadcast %shift_right_logical3A_133 : i32 to vector<16xi32>
      %shift_right_logical3A_135 = arith.shrui %add3A_128, %shift_right_logical3A_134 : vector<16xi32>
      %or3A_136 = arith.ori %shift_left3A_132, %shift_right_logical3A_135 : vector<16xi32>
      %xor3A_137 = arith.xori %or3A_136, %add3A_129 : vector<16xi32>
      %add3A_138 = arith.addi %add3A_129, %xor3A_137 : vector<16xi32>
      %shift_left3A_139 = arith.constant 15 : i32
      %shift_left3A_140 = vector.broadcast %shift_left3A_139 : i32 to vector<16xi32>
      %shift_left3A_141 = arith.shli %xor3A_137, %shift_left3A_140 : vector<16xi32>
      %shift_right_logical3A_142 = arith.constant 17 : i32
      %shift_right_logical3A_143 = vector.broadcast %shift_right_logical3A_142 : i32 to vector<16xi32>
      %shift_right_logical3A_144 = arith.shrui %xor3A_137, %shift_right_logical3A_143 : vector<16xi32>
      %or3A_145 = arith.ori %shift_left3A_141, %shift_right_logical3A_144 : vector<16xi32>
      %xor3A_146 = arith.xori %or3A_145, %add3A_138 : vector<16xi32>
      %add3A_147 = arith.addi %add3A_138, %xor3A_146 : vector<16xi32>
      %shift_left3A_148 = arith.constant 26 : i32
      %shift_left3A_149 = vector.broadcast %shift_left3A_148 : i32 to vector<16xi32>
      %shift_left3A_150 = arith.shli %xor3A_146, %shift_left3A_149 : vector<16xi32>
      %shift_right_logical3A_151 = arith.constant 6 : i32
      %shift_right_logical3A_152 = vector.broadcast %shift_right_logical3A_151 : i32 to vector<16xi32>
      %shift_right_logical3A_153 = arith.shrui %xor3A_146, %shift_right_logical3A_152 : vector<16xi32>
      %or3A_154 = arith.ori %shift_left3A_150, %shift_right_logical3A_153 : vector<16xi32>
      %xor3A_155 = arith.xori %or3A_154, %add3A_147 : vector<16xi32>
      %add3A_156 = arith.addi %add3A_147, %xor3A_155 : vector<16xi32>
      %shift_left3A_157 = arith.constant 6 : i32
      %shift_left3A_158 = vector.broadcast %shift_left3A_157 : i32 to vector<16xi32>
      %shift_left3A_159 = arith.shli %xor3A_155, %shift_left3A_158 : vector<16xi32>
      %shift_right_logical3A_160 = arith.constant 26 : i32
      %shift_right_logical3A_161 = vector.broadcast %shift_right_logical3A_160 : i32 to vector<16xi32>
      %shift_right_logical3A_162 = arith.shrui %xor3A_155, %shift_right_logical3A_161 : vector<16xi32>
      %or3A_163 = arith.ori %shift_left3A_159, %shift_right_logical3A_162 : vector<16xi32>
      %xor3A_164 = arith.xori %or3A_163, %add3A_156 : vector<16xi32>
      %add3A_165 = arith.constant 0 : i32
      %add3A_166 = vector.broadcast %add3A_165 : i32 to vector<16xi32>
      %add3A_167 = arith.addi %add3A_156, %add3A_166 : vector<16xi32>
      %add3A_168 = arith.constant 1 : i32
      %add3A_169 = vector.broadcast %add3A_168 : i32 to vector<16xi32>
      %add3A_170 = arith.addi %xor3A_164, %add3A_169 : vector<16xi32>
      %add3A_171 = arith.constant 3 : i32
      %add3A_172 = vector.broadcast %add3A_171 : i32 to vector<16xi32>
      %add3A_173 = arith.addi %add3A_170, %add3A_172 : vector<16xi32>
      %add3A_174 = arith.addi %add3A_167, %add3A_173 : vector<16xi32>
      %shift_left3A_175 = arith.constant 17 : i32
      %shift_left3A_176 = vector.broadcast %shift_left3A_175 : i32 to vector<16xi32>
      %shift_left3A_177 = arith.shli %add3A_173, %shift_left3A_176 : vector<16xi32>
      %shift_right_logical3A_178 = arith.constant 15 : i32
      %shift_right_logical3A_179 = vector.broadcast %shift_right_logical3A_178 : i32 to vector<16xi32>
      %shift_right_logical3A_180 = arith.shrui %add3A_173, %shift_right_logical3A_179 : vector<16xi32>
      %or3A_181 = arith.ori %shift_left3A_177, %shift_right_logical3A_180 : vector<16xi32>
      %xor3A_182 = arith.xori %or3A_181, %add3A_174 : vector<16xi32>
      %add3A_183 = arith.addi %add3A_174, %xor3A_182 : vector<16xi32>
      %shift_left3A_184 = arith.constant 29 : i32
      %shift_left3A_185 = vector.broadcast %shift_left3A_184 : i32 to vector<16xi32>
      %shift_left3A_186 = arith.shli %xor3A_182, %shift_left3A_185 : vector<16xi32>
      %shift_right_logical3A_187 = arith.constant 3 : i32
      %shift_right_logical3A_188 = vector.broadcast %shift_right_logical3A_187 : i32 to vector<16xi32>
      %shift_right_logical3A_189 = arith.shrui %xor3A_182, %shift_right_logical3A_188 : vector<16xi32>
      %or3A_190 = arith.ori %shift_left3A_186, %shift_right_logical3A_189 : vector<16xi32>
      %xor3A_191 = arith.xori %or3A_190, %add3A_183 : vector<16xi32>
      %add3A_192 = arith.addi %add3A_183, %xor3A_191 : vector<16xi32>
      %shift_left3A_193 = arith.constant 16 : i32
      %shift_left3A_194 = vector.broadcast %shift_left3A_193 : i32 to vector<16xi32>
      %shift_left3A_195 = arith.shli %xor3A_191, %shift_left3A_194 : vector<16xi32>
      %shift_right_logical3A_196 = arith.constant 16 : i32
      %shift_right_logical3A_197 = vector.broadcast %shift_right_logical3A_196 : i32 to vector<16xi32>
      %shift_right_logical3A_198 = arith.shrui %xor3A_191, %shift_right_logical3A_197 : vector<16xi32>
      %or3A_199 = arith.ori %shift_left3A_195, %shift_right_logical3A_198 : vector<16xi32>
      %xor3A_200 = arith.xori %or3A_199, %add3A_192 : vector<16xi32>
      %add3A_201 = arith.addi %add3A_192, %xor3A_200 : vector<16xi32>
      %shift_left3A_202 = arith.constant 24 : i32
      %shift_left3A_203 = vector.broadcast %shift_left3A_202 : i32 to vector<16xi32>
      %shift_left3A_204 = arith.shli %xor3A_200, %shift_left3A_203 : vector<16xi32>
      %shift_right_logical3A_205 = arith.constant 8 : i32
      %shift_right_logical3A_206 = vector.broadcast %shift_right_logical3A_205 : i32 to vector<16xi32>
      %shift_right_logical3A_207 = arith.shrui %xor3A_200, %shift_right_logical3A_206 : vector<16xi32>
      %or3A_208 = arith.ori %shift_left3A_204, %shift_right_logical3A_207 : vector<16xi32>
      %xor3A_209 = arith.xori %or3A_208, %add3A_201 : vector<16xi32>
      %add3A_210 = arith.constant 1 : i32
      %add3A_211 = vector.broadcast %add3A_210 : i32 to vector<16xi32>
      %add3A_212 = arith.addi %add3A_201, %add3A_211 : vector<16xi32>
      %add3A_213 = vector.broadcast %xor3A_37 : i32 to vector<16xi32>
      %add3A_214 = arith.addi %xor3A_209, %add3A_213 : vector<16xi32>
      %add3A_215 = arith.constant 4 : i32
      %add3A_216 = vector.broadcast %add3A_215 : i32 to vector<16xi32>
      %add3A_217 = arith.addi %add3A_214, %add3A_216 : vector<16xi32>
      %add3A_218 = arith.addi %add3A_212, %add3A_217 : vector<16xi32>
      %shift_left3A_219 = arith.constant 13 : i32
      %shift_left3A_220 = vector.broadcast %shift_left3A_219 : i32 to vector<16xi32>
      %shift_left3A_221 = arith.shli %add3A_217, %shift_left3A_220 : vector<16xi32>
      %shift_right_logical3A_222 = arith.constant 19 : i32
      %shift_right_logical3A_223 = vector.broadcast %shift_right_logical3A_222 : i32 to vector<16xi32>
      %shift_right_logical3A_224 = arith.shrui %add3A_217, %shift_right_logical3A_223 : vector<16xi32>
      %or3A_225 = arith.ori %shift_left3A_221, %shift_right_logical3A_224 : vector<16xi32>
      %xor3A_226 = arith.xori %or3A_225, %add3A_218 : vector<16xi32>
      %add3A_227 = arith.addi %add3A_218, %xor3A_226 : vector<16xi32>
      %shift_left3A_228 = arith.constant 15 : i32
      %shift_left3A_229 = vector.broadcast %shift_left3A_228 : i32 to vector<16xi32>
      %shift_left3A_230 = arith.shli %xor3A_226, %shift_left3A_229 : vector<16xi32>
      %shift_right_logical3A_231 = arith.constant 17 : i32
      %shift_right_logical3A_232 = vector.broadcast %shift_right_logical3A_231 : i32 to vector<16xi32>
      %shift_right_logical3A_233 = arith.shrui %xor3A_226, %shift_right_logical3A_232 : vector<16xi32>
      %or3A_234 = arith.ori %shift_left3A_230, %shift_right_logical3A_233 : vector<16xi32>
      %xor3A_235 = arith.xori %or3A_234, %add3A_227 : vector<16xi32>
      %add3A_236 = arith.addi %add3A_227, %xor3A_235 : vector<16xi32>
      %shift_left3A_237 = arith.constant 26 : i32
      %shift_left3A_238 = vector.broadcast %shift_left3A_237 : i32 to vector<16xi32>
      %shift_left3A_239 = arith.shli %xor3A_235, %shift_left3A_238 : vector<16xi32>
      %shift_right_logical3A_240 = arith.constant 6 : i32
      %shift_right_logical3A_241 = vector.broadcast %shift_right_logical3A_240 : i32 to vector<16xi32>
      %shift_right_logical3A_242 = arith.shrui %xor3A_235, %shift_right_logical3A_241 : vector<16xi32>
      %or3A_243 = arith.ori %shift_left3A_239, %shift_right_logical3A_242 : vector<16xi32>
      %xor3A_244 = arith.xori %or3A_243, %add3A_236 : vector<16xi32>
      %add3A_245 = arith.addi %add3A_236, %xor3A_244 : vector<16xi32>
      %shift_left3A_246 = arith.constant 6 : i32
      %shift_left3A_247 = vector.broadcast %shift_left3A_246 : i32 to vector<16xi32>
      %shift_left3A_248 = arith.shli %xor3A_244, %shift_left3A_247 : vector<16xi32>
      %shift_right_logical3A_249 = arith.constant 26 : i32
      %shift_right_logical3A_250 = vector.broadcast %shift_right_logical3A_249 : i32 to vector<16xi32>
      %shift_right_logical3A_251 = arith.shrui %xor3A_244, %shift_right_logical3A_250 : vector<16xi32>
      %or3A_252 = arith.ori %shift_left3A_248, %shift_right_logical3A_251 : vector<16xi32>
      %xor3A_253 = arith.xori %or3A_252, %add3A_245 : vector<16xi32>
      %add3A_254 = vector.broadcast %xor3A_37 : i32 to vector<16xi32>
      %add3A_255 = arith.addi %add3A_245, %add3A_254 : vector<16xi32>
      %add3A_256 = arith.constant 0 : i32
      %add3A_257 = vector.broadcast %add3A_256 : i32 to vector<16xi32>
      %add3A_258 = arith.addi %xor3A_253, %add3A_257 : vector<16xi32>
      %add3A_259 = arith.constant 5 : i32
      %add3A_260 = vector.broadcast %add3A_259 : i32 to vector<16xi32>
      %add3A_261 = arith.addi %add3A_258, %add3A_260 : vector<16xi32>
      %xor3A_262 = arith.xori %add3A_255, %add3A_261 : vector<16xi32>
      %shift_right_logical3A_263 = arith.constant 9 : i32
      %shift_right_logical3A_264 = vector.broadcast %shift_right_logical3A_263 : i32 to vector<16xi32>
      %shift_right_logical3A_265 = arith.shrui %xor3A_262, %shift_right_logical3A_264 : vector<16xi32>
      %or3A_266 = arith.constant 1065353216 : i32
      %or3A_267 = vector.broadcast %or3A_266 : i32 to vector<16xi32>
      %or3A_268 = arith.ori %shift_right_logical3A_265, %or3A_267 : vector<16xi32>
      %bitcast_convert_type3A = tpu.bitcast %or3A_268 : vector<16xi32> -> vector<16xf32>
      %sub3A = arith.constant 1.000000e+00 : f32
      %sub3A_269 = vector.broadcast %sub3A : f32 to vector<16xf32>
      %sub3A_270 = arith.subf %bitcast_convert_type3A, %sub3A_269 : vector<16xf32>
      %get3A = arith.constant 0 : i32
      %get3A_271 = arith.index_cast %get3A : i32 to index
      %get3A_272 = arith.index_cast %mul3A_26 : i32 to index
      %get3A_273 = tpu.vector_load %arg6[%get3A_271, %get3A_272] {strides = array<i32>} : memref<4x15616xf32, #tpu.memory_space<vmem>>, vector<1x16xf32>,
      %get3A_274 = vector.shape_cast %get3A_273 : vector<1x16xf32> to vector<16xf32>
      %get3A_275 = arith.constant 1 : i32
      %get3A_276 = arith.index_cast %get3A_275 : i32 to index
      %get3A_277 = arith.index_cast %mul3A_26 : i32 to index
      %get3A_278 = tpu.vector_load %arg6[%get3A_276, %get3A_277] {strides = array<i32>} : memref<4x15616xf32, #tpu.memory_space<vmem>>, vector<1x16xf32>,
      %get3A_279 = vector.shape_cast %get3A_278 : vector<1x16xf32> to vector<16xf32>
      %get3A_280 = arith.constant 2 : i32
      %get3A_281 = arith.index_cast %get3A_280 : i32 to index
      %get3A_282 = arith.index_cast %mul3A_26 : i32 to index
      %get3A_283 = tpu.vector_load %arg6[%get3A_281, %get3A_282] {strides = array<i32>} : memref<4x15616xf32, #tpu.memory_space<vmem>>, vector<1x16xf32>,
      %get3A_284 = vector.shape_cast %get3A_283 : vector<1x16xf32> to vector<16xf32>
      %get3A_285 = arith.constant 3 : i32
      %get3A_286 = arith.index_cast %get3A_285 : i32 to index
      %get3A_287 = arith.index_cast %mul3A_26 : i32 to index
      %get3A_288 = tpu.vector_load %arg6[%get3A_286, %get3A_287] {strides = array<i32>} : memref<4x15616xf32, #tpu.memory_space<vmem>>, vector<1x16xf32>,
      %get3A_289 = vector.shape_cast %get3A_288 : vector<1x16xf32> to vector<16xf32>
      %add3A_290 = arith.addf %get3A_274, %get3A_279 : vector<16xf32>
      %add3A_291 = arith.addf %add3A_290, %get3A_284 : vector<16xf32>
      %add3A_292 = arith.addf %add3A_291, %get3A_289 : vector<16xf32>
      %gt3A = arith.cmpf ogt, %sub3A_270, %get3A_274 : vector<16xf32>
      %gt3A_293 = arith.cmpf ogt, %sub3A_270, %add3A_290 : vector<16xf32>
      %gt3A_294 = arith.cmpf ogt, %sub3A_270, %add3A_291 : vector<16xf32>
      %gt3A_295 = arith.cmpf ogt, %sub3A_270, %add3A_292 : vector<16xf32>
      %broadcast_in_dim3A_296 = arith.constant 1 : i32
      %broadcast_in_dim3A_297 = vector.broadcast %broadcast_in_dim3A_296 : i32 to vector<16xi32>
      %broadcast_in_dim3A_298 = arith.constant 0 : i32
      %broadcast_in_dim3A_299 = vector.broadcast %broadcast_in_dim3A_298 : i32 to vector<16xi32>
      %select_n3A = arith.select %gt3A, %broadcast_in_dim3A_297, %broadcast_in_dim3A_299 : vector<16xi1>, vector<16xi32>
      %select_n3A_300 = arith.select %gt3A_293, %broadcast_in_dim3A_297, %broadcast_in_dim3A_299 : vector<16xi1>, vector<16xi32>
      %add3A_301 = arith.addi %select_n3A, %select_n3A_300 : vector<16xi32>
      %select_n3A_302 = arith.select %gt3A_294, %broadcast_in_dim3A_297, %broadcast_in_dim3A_299 : vector<16xi1>, vector<16xi32>
      %add3A_303 = arith.addi %add3A_301, %select_n3A_302 : vector<16xi32>
      %select_n3A_304 = arith.select %gt3A_295, %broadcast_in_dim3A_297, %broadcast_in_dim3A_299 : vector<16xi1>, vector<16xi32>
      %add3A_305 = arith.addi %add3A_303, %select_n3A_304 : vector<16xi32>
      %select_n3A_306 = arith.select %gt3A, %get3A_279, %get3A_274 : vector<16xi1>, vector<16xf32>
      %select_n3A_307 = arith.select %gt3A_293, %get3A_284, %select_n3A_306 : vector<16xi1>, vector<16xf32>
      %select_n3A_308 = arith.select %gt3A_294, %get3A_289, %select_n3A_307 : vector<16xi1>, vector<16xf32>
      %swap3A_309 = arith.index_cast %mul3A_26 : i32 to index
      %swap3A_310 = tpu.vector_load %arg8[%swap3A_309] {strides = array<i32>} : memref<15616xi32, #tpu.memory_space<vmem>>, vector<16xi32>,
      %swap3A_311 = vector.shape_cast %swap3A_310 : vector<16xi32> to vector<16xi32>
      %swap3A_312 = vector.shape_cast %add3A_305 : vector<16xi32> to vector<16xi32>
      tpu.vector_store %arg8[%swap3A_309], %swap3A_312 {strides = array<i32>} : memref<15616xi32, #tpu.memory_space<vmem>>, vector<16xi32>,
      %get3A_313 = arith.index_cast %mul3A_26 : i32 to index
      %get3A_314 = tpu.vector_load %arg7[%get3A_313] {strides = array<i32>} : memref<15616xf32, #tpu.memory_space<vmem>>, vector<16xf32>,
      %get3A_315 = vector.shape_cast %get3A_314 : vector<16xf32> to vector<16xf32>
      %bitcast_convert_type3A_316 = tpu.bitcast %select_n3A_308 : vector<16xf32> -> vector<16xi32>
      %shift_right_logical3A_317 = arith.constant 23 : i32
      %shift_right_logical3A_318 = vector.broadcast %shift_right_logical3A_317 : i32 to vector<16xi32>
      %shift_right_logical3A_319 = arith.shrui %bitcast_convert_type3A_316, %shift_right_logical3A_318 : vector<16xi32>
      %and3A = arith.constant 255 : i32
      %and3A_320 = vector.broadcast %and3A : i32 to vector<16xi32>
      %and3A_321 = arith.andi %shift_right_logical3A_319, %and3A_320 : vector<16xi32>
      %sub3A_322 = arith.constant 127 : i32
      %sub3A_323 = vector.broadcast %sub3A_322 : i32 to vector<16xi32>
      %sub3A_324 = arith.subi %and3A_321, %sub3A_323 : vector<16xi32>
      %convert_element_type3A = arith.sitofp %sub3A_324 : vector<16xi32> to vector<16xf32>
      %and3A_325 = arith.constant 8388607 : i32
      %and3A_326 = vector.broadcast %and3A_325 : i32 to vector<16xi32>
      %and3A_327 = arith.andi %bitcast_convert_type3A_316, %and3A_326 : vector<16xi32>
      %or3A_328 = arith.constant 1065353216 : i32
      %or3A_329 = vector.broadcast %or3A_328 : i32 to vector<16xi32>
      %or3A_330 = arith.ori %and3A_327, %or3A_329 : vector<16xi32>
      %bitcast_convert_type3A_331 = tpu.bitcast %or3A_330 : vector<16xi32> -> vector<16xf32>
      %gt3A_332 = arith.constant 1.41421354 : f32
      %gt3A_333 = vector.broadcast %gt3A_332 : f32 to vector<16xf32>
      %gt3A_334 = arith.cmpf ogt, %bitcast_convert_type3A_331, %gt3A_333 : vector<16xf32>
      %mul3A_335 = arith.constant 5.000000e-01 : f32
      %mul3A_336 = vector.broadcast %mul3A_335 : f32 to vector<16xf32>
      %mul3A_337 = arith.mulf %bitcast_convert_type3A_331, %mul3A_336 : vector<16xf32>
      %select_n3A_338 = arith.select %gt3A_334, %mul3A_337, %bitcast_convert_type3A_331 : vector<16xi1>, vector<16xf32>
      %add3A_339 = arith.constant 1.000000e+00 : f32
      %add3A_340 = vector.broadcast %add3A_339 : f32 to vector<16xf32>
      %add3A_341 = arith.addf %convert_element_type3A, %add3A_340 : vector<16xf32>
      %select_n3A_342 = arith.select %gt3A_334, %add3A_341, %convert_element_type3A : vector<16xi1>, vector<16xf32>
      %sub3A_343 = arith.constant 1.000000e+00 : f32
      %sub3A_344 = vector.broadcast %sub3A_343 : f32 to vector<16xf32>
      %sub3A_345 = arith.subf %select_n3A_338, %sub3A_344 : vector<16xf32>
      %add3A_346 = arith.constant 1.000000e+00 : f32
      %add3A_347 = vector.broadcast %add3A_346 : f32 to vector<16xf32>
      %add3A_348 = arith.addf %select_n3A_338, %add3A_347 : vector<16xf32>
      %div3A = arith.divf %sub3A_345, %add3A_348 : vector<16xf32>
      %mul3A_349 = arith.mulf %div3A, %div3A : vector<16xf32>
      %mul3A_350 = arith.constant 0.285714298 : f32
      %mul3A_351 = vector.broadcast %mul3A_350 : f32 to vector<16xf32>
      %mul3A_352 = arith.mulf %mul3A_349, %mul3A_351 : vector<16xf32>
      %add3A_353 = arith.constant 4.000000e-01 : f32
      %add3A_354 = vector.broadcast %add3A_353 : f32 to vector<16xf32>
      %add3A_355 = arith.addf %add3A_354, %mul3A_352 : vector<16xf32>
      %mul3A_356 = arith.mulf %mul3A_349, %add3A_355 : vector<16xf32>
      %add3A_357 = arith.constant 0.666666686 : f32
      %add3A_358 = vector.broadcast %add3A_357 : f32 to vector<16xf32>
      %add3A_359 = arith.addf %add3A_358, %mul3A_356 : vector<16xf32>
      %mul3A_360 = arith.mulf %mul3A_349, %add3A_359 : vector<16xf32>
      %add3A_361 = arith.constant 2.000000e+00 : f32
      %add3A_362 = vector.broadcast %add3A_361 : f32 to vector<16xf32>
      %add3A_363 = arith.addf %add3A_362, %mul3A_360 : vector<16xf32>
      %mul3A_364 = arith.mulf %div3A, %add3A_363 : vector<16xf32>
      %mul3A_365 = arith.constant 0.693147182 : f32
      %mul3A_366 = vector.broadcast %mul3A_365 : f32 to vector<16xf32>
      %mul3A_367 = arith.mulf %select_n3A_342, %mul3A_366 : vector<16xf32>
      %add3A_368 = arith.addf %mul3A_367, %mul3A_364 : vector<16xf32>
      %mul3A_369 = arith.mulf %get3A_315, %add3A_368 : vector<16xf32>
      %add3A_370 = arith.addf %scan3A_24, %mul3A_369 : vector<16xf32>
      scf.yield %add3A_370 : vector<16xf32>
    }
    %scan3A_10 = arith.constant 976 : i32
    "tpu.region"() ({
      %run_scoped3A = tpu.sem_alloc : memref<!tpu.dma_semaphore, #tpu.memory_space<semaphore_mem>>
      %dma_start3A = tpu.memref_slice %arg4[%multiple_of3A] : memref<999424xi32, #tpu.memory_space<hbm>> -> memref<15616xi32, #tpu.memory_space<hbm>>
      %dma_start3A_23 = tpu.memref_slice %arg4[%multiple_of3A] : memref<999424xi32, #tpu.memory_space<hbm>> -> memref<15616xi32, #tpu.memory_space<hbm>>
      tpu.enqueue_dma source(%arg8 : memref<15616xi32, #tpu.memory_space<vmem>>) target(%dma_start3A_23 : memref<15616xi32, #tpu.memory_space<hbm>>) target_semaphore(%run_scoped3A : memref<!tpu.dma_semaphore, #tpu.memory_space<semaphore_mem>>)
      %dma_wait3A = tpu.memref_slice %arg4[%multiple_of3A] : memref<999424xi32, #tpu.memory_space<hbm>> -> memref<15616xi32, #tpu.memory_space<hbm>>
      %dma_wait3A_24 = tpu.memref_slice %arg4[%multiple_of3A] : memref<999424xi32, #tpu.memory_space<hbm>> -> memref<15616xi32, #tpu.memory_space<hbm>>
      tpu.wait_dma2 semaphore(%run_scoped3A : memref<!tpu.dma_semaphore, #tpu.memory_space<semaphore_mem>>) src(%arg8 : memref<15616xi32, #tpu.memory_space<vmem>>) dst(%dma_wait3A_24 : memref<15616xi32, #tpu.memory_space<hbm>>)
      tpu.yield
    }) : () -> ()
    %add3A_11 = arith.constant 15616 : i32
    %add3A_12 = arith.addi %mul3A_2, %add3A_11 : i32
    %multiple_of3A_13 = tpu.assume_multiple %add3A_12, 128 : i32
    "tpu.region"() ({
      %run_scoped3A = tpu.sem_alloc : memref<!tpu.dma_semaphore, #tpu.memory_space<semaphore_mem>>
      %dma_start3A = arith.constant 0 : i32
      %dma_start3A_23 = tpu.memref_slice %arg2[%dma_start3A, %multiple_of3A_13] : memref<4x1000000xf32, #tpu.memory_space<hbm>> -> memref<4x15616xf32, #tpu.memory_space<hbm>>
      %dma_start3A_24 = arith.constant 0 : i32
      %dma_start3A_25 = tpu.memref_slice %arg2[%dma_start3A_24, %multiple_of3A_13] : memref<4x1000000xf32, #tpu.memory_space<hbm>> -> memref<4x15616xf32, #tpu.memory_space<hbm>>
      tpu.enqueue_dma source(%dma_start3A_25 : memref<4x15616xf32, #tpu.memory_space<hbm>>) target(%arg6 : memref<4x15616xf32, #tpu.memory_space<vmem>>) target_semaphore(%run_scoped3A : memref<!tpu.dma_semaphore, #tpu.memory_space<semaphore_mem>>)
      %dma_wait3A = arith.constant 0 : i32
      %dma_wait3A_26 = tpu.memref_slice %arg2[%dma_wait3A, %multiple_of3A_13] : memref<4x1000000xf32, #tpu.memory_space<hbm>> -> memref<4x15616xf32, #tpu.memory_space<hbm>>
      %dma_wait3A_27 = arith.constant 0 : i32
      %dma_wait3A_28 = tpu.memref_slice %arg2[%dma_wait3A_27, %multiple_of3A_13] : memref<4x1000000xf32, #tpu.memory_space<hbm>> -> memref<4x15616xf32, #tpu.memory_space<hbm>>
      tpu.wait_dma2 semaphore(%run_scoped3A : memref<!tpu.dma_semaphore, #tpu.memory_space<semaphore_mem>>) src(%dma_wait3A_28 : memref<4x15616xf32, #tpu.memory_space<hbm>>) dst(%arg6 : memref<4x15616xf32, #tpu.memory_space<vmem>>)
      tpu.yield
    }) : () -> ()
    "tpu.region"() ({
      %run_scoped3A = tpu.sem_alloc : memref<!tpu.dma_semaphore, #tpu.memory_space<semaphore_mem>>
      %dma_start3A = tpu.memref_slice %arg3[%multiple_of3A_13] : memref<1000000xf32, #tpu.memory_space<hbm>> -> memref<15616xf32, #tpu.memory_space<hbm>>
      %dma_start3A_23 = tpu.memref_slice %arg3[%multiple_of3A_13] : memref<1000000xf32, #tpu.memory_space<hbm>> -> memref<15616xf32, #tpu.memory_space<hbm>>
      tpu.enqueue_dma source(%dma_start3A_23 : memref<15616xf32, #tpu.memory_space<hbm>>) target(%arg7 : memref<15616xf32, #tpu.memory_space<vmem>>) target_semaphore(%run_scoped3A : memref<!tpu.dma_semaphore, #tpu.memory_space<semaphore_mem>>)
      %dma_wait3A = tpu.memref_slice %arg3[%multiple_of3A_13] : memref<1000000xf32, #tpu.memory_space<hbm>> -> memref<15616xf32, #tpu.memory_space<hbm>>
      %dma_wait3A_24 = tpu.memref_slice %arg3[%multiple_of3A_13] : memref<1000000xf32, #tpu.memory_space<hbm>> -> memref<15616xf32, #tpu.memory_space<hbm>>
      tpu.wait_dma2 semaphore(%run_scoped3A : memref<!tpu.dma_semaphore, #tpu.memory_space<semaphore_mem>>) src(%dma_wait3A_24 : memref<15616xf32, #tpu.memory_space<hbm>>) dst(%arg7 : memref<15616xf32, #tpu.memory_space<vmem>>)
      tpu.yield
    }) : () -> ()
    %scan3A_14 = arith.constant 0 : i32
    %scan3A_15 = arith.constant 976 : i32
    %scan3A_16 = arith.addi %scan3A_14, %scan3A_15 : i32
    %scan3A_17 = arith.constant 1 : i32
    %scan3A_18 = scf.for %scan3A_23 = %scan3A_14 to %scan3A_16 step %scan3A_17 iter_args(%scan3A_24 = %scan3A_9) -> (vector<16xf32>)  : i32 {
      %mul3A_25 = arith.constant 16 : i32
      %mul3A_26 = arith.muli %scan3A_23, %mul3A_25 : i32
      %mul3A_27 = arith.constant 16 : i32
      %mul3A_28 = arith.muli %scan3A_23, %mul3A_27 : i32
      %add3A_29 = arith.addi %multiple_of3A_13, %mul3A_28 : i32
      %add3A_30 = vector.broadcast %add3A_29 : i32 to vector<16xi32>
      %add3A_31 = arith.addi %add3A_30, %iota3A : vector<16xi32>
      %broadcast_in_dim3A_32 = arith.constant 0 : i32
      %broadcast_in_dim3A_33 = vector.broadcast %broadcast_in_dim3A_32 : i32 to vector<16xi32>
      %xor3A = arith.constant 466688986 : i32
      %xor3A_34 = arith.constant 0 : i32
      %xor3A_35 = arith.xori %xor3A, %xor3A_34 : i32
      %xor3A_36 = arith.constant 1 : i32
      %xor3A_37 = arith.xori %xor3A_35, %xor3A_36 : i32
      %add3A_38 = arith.constant 0 : i32
      %add3A_39 = vector.broadcast %add3A_38 : i32 to vector<16xi32>
      %add3A_40 = arith.addi %broadcast_in_dim3A_33, %add3A_39 : vector<16xi32>
      %add3A_41 = arith.constant 1 : i32
      %add3A_42 = vector.broadcast %add3A_41 : i32 to vector<16xi32>
      %add3A_43 = arith.addi %add3A_31, %add3A_42 : vector<16xi32>
      %add3A_44 = arith.addi %add3A_40, %add3A_43 : vector<16xi32>
      %shift_left3A = arith.constant 13 : i32
      %shift_left3A_45 = vector.broadcast %shift_left3A : i32 to vector<16xi32>
      %shift_left3A_46 = arith.shli %add3A_43, %shift_left3A_45 : vector<16xi32>
      %shift_right_logical3A = arith.constant 19 : i32
      %shift_right_logical3A_47 = vector.broadcast %shift_right_logical3A : i32 to vector<16xi32>
      %shift_right_logical3A_48 = arith.shrui %add3A_43, %shift_right_logical3A_47 : vector<16xi32>
      %or3A = arith.ori %shift_left3A_46, %shift_right_logical3A_48 : vector<16xi32>
      %xor3A_49 = arith.xori %or3A, %add3A_44 : vector<16xi32>
      %add3A_50 = arith.addi %add3A_44, %xor3A_49 : vector<16xi32>
      %shift_left3A_51 = arith.constant 15 : i32
      %shift_left3A_52 = vector.broadcast %shift_left3A_51 : i32 to vector<16xi32>
      %shift_left3A_53 = arith.shli %xor3A_49, %shift_left3A_52 : vector<16xi32>
      %shift_right_logical3A_54 = arith.constant 17 : i32
      %shift_right_logical3A_55 = vector.broadcast %shift_right_logical3A_54 : i32 to vector<16xi32>
      %shift_right_logical3A_56 = arith.shrui %xor3A_49, %shift_right_logical3A_55 : vector<16xi32>
      %or3A_57 = arith.ori %shift_left3A_53, %shift_right_logical3A_56 : vector<16xi32>
      %xor3A_58 = arith.xori %or3A_57, %add3A_50 : vector<16xi32>
      %add3A_59 = arith.addi %add3A_50, %xor3A_58 : vector<16xi32>
      %shift_left3A_60 = arith.constant 26 : i32
      %shift_left3A_61 = vector.broadcast %shift_left3A_60 : i32 to vector<16xi32>
      %shift_left3A_62 = arith.shli %xor3A_58, %shift_left3A_61 : vector<16xi32>
      %shift_right_logical3A_63 = arith.constant 6 : i32
      %shift_right_logical3A_64 = vector.broadcast %shift_right_logical3A_63 : i32 to vector<16xi32>
      %shift_right_logical3A_65 = arith.shrui %xor3A_58, %shift_right_logical3A_64 : vector<16xi32>
      %or3A_66 = arith.ori %shift_left3A_62, %shift_right_logical3A_65 : vector<16xi32>
      %xor3A_67 = arith.xori %or3A_66, %add3A_59 : vector<16xi32>
      %add3A_68 = arith.addi %add3A_59, %xor3A_67 : vector<16xi32>
      %shift_left3A_69 = arith.constant 6 : i32
      %shift_left3A_70 = vector.broadcast %shift_left3A_69 : i32 to vector<16xi32>
      %shift_left3A_71 = arith.shli %xor3A_67, %shift_left3A_70 : vector<16xi32>
      %shift_right_logical3A_72 = arith.constant 26 : i32
      %shift_right_logical3A_73 = vector.broadcast %shift_right_logical3A_72 : i32 to vector<16xi32>
      %shift_right_logical3A_74 = arith.shrui %xor3A_67, %shift_right_logical3A_73 : vector<16xi32>
      %or3A_75 = arith.ori %shift_left3A_71, %shift_right_logical3A_74 : vector<16xi32>
      %xor3A_76 = arith.xori %or3A_75, %add3A_68 : vector<16xi32>
      %add3A_77 = arith.constant 1 : i32
      %add3A_78 = vector.broadcast %add3A_77 : i32 to vector<16xi32>
      %add3A_79 = arith.addi %add3A_68, %add3A_78 : vector<16xi32>
      %add3A_80 = vector.broadcast %xor3A_37 : i32 to vector<16xi32>
      %add3A_81 = arith.addi %xor3A_76, %add3A_80 : vector<16xi32>
      %add3A_82 = arith.constant 1 : i32
      %add3A_83 = vector.broadcast %add3A_82 : i32 to vector<16xi32>
      %add3A_84 = arith.addi %add3A_81, %add3A_83 : vector<16xi32>
      %add3A_85 = arith.addi %add3A_79, %add3A_84 : vector<16xi32>
      %shift_left3A_86 = arith.constant 17 : i32
      %shift_left3A_87 = vector.broadcast %shift_left3A_86 : i32 to vector<16xi32>
      %shift_left3A_88 = arith.shli %add3A_84, %shift_left3A_87 : vector<16xi32>
      %shift_right_logical3A_89 = arith.constant 15 : i32
      %shift_right_logical3A_90 = vector.broadcast %shift_right_logical3A_89 : i32 to vector<16xi32>
      %shift_right_logical3A_91 = arith.shrui %add3A_84, %shift_right_logical3A_90 : vector<16xi32>
      %or3A_92 = arith.ori %shift_left3A_88, %shift_right_logical3A_91 : vector<16xi32>
      %xor3A_93 = arith.xori %or3A_92, %add3A_85 : vector<16xi32>
      %add3A_94 = arith.addi %add3A_85, %xor3A_93 : vector<16xi32>
      %shift_left3A_95 = arith.constant 29 : i32
      %shift_left3A_96 = vector.broadcast %shift_left3A_95 : i32 to vector<16xi32>
      %shift_left3A_97 = arith.shli %xor3A_93, %shift_left3A_96 : vector<16xi32>
      %shift_right_logical3A_98 = arith.constant 3 : i32
      %shift_right_logical3A_99 = vector.broadcast %shift_right_logical3A_98 : i32 to vector<16xi32>
      %shift_right_logical3A_100 = arith.shrui %xor3A_93, %shift_right_logical3A_99 : vector<16xi32>
      %or3A_101 = arith.ori %shift_left3A_97, %shift_right_logical3A_100 : vector<16xi32>
      %xor3A_102 = arith.xori %or3A_101, %add3A_94 : vector<16xi32>
      %add3A_103 = arith.addi %add3A_94, %xor3A_102 : vector<16xi32>
      %shift_left3A_104 = arith.constant 16 : i32
      %shift_left3A_105 = vector.broadcast %shift_left3A_104 : i32 to vector<16xi32>
      %shift_left3A_106 = arith.shli %xor3A_102, %shift_left3A_105 : vector<16xi32>
      %shift_right_logical3A_107 = arith.constant 16 : i32
      %shift_right_logical3A_108 = vector.broadcast %shift_right_logical3A_107 : i32 to vector<16xi32>
      %shift_right_logical3A_109 = arith.shrui %xor3A_102, %shift_right_logical3A_108 : vector<16xi32>
      %or3A_110 = arith.ori %shift_left3A_106, %shift_right_logical3A_109 : vector<16xi32>
      %xor3A_111 = arith.xori %or3A_110, %add3A_103 : vector<16xi32>
      %add3A_112 = arith.addi %add3A_103, %xor3A_111 : vector<16xi32>
      %shift_left3A_113 = arith.constant 24 : i32
      %shift_left3A_114 = vector.broadcast %shift_left3A_113 : i32 to vector<16xi32>
      %shift_left3A_115 = arith.shli %xor3A_111, %shift_left3A_114 : vector<16xi32>
      %shift_right_logical3A_116 = arith.constant 8 : i32
      %shift_right_logical3A_117 = vector.broadcast %shift_right_logical3A_116 : i32 to vector<16xi32>
      %shift_right_logical3A_118 = arith.shrui %xor3A_111, %shift_right_logical3A_117 : vector<16xi32>
      %or3A_119 = arith.ori %shift_left3A_115, %shift_right_logical3A_118 : vector<16xi32>
      %xor3A_120 = arith.xori %or3A_119, %add3A_112 : vector<16xi32>
      %add3A_121 = vector.broadcast %xor3A_37 : i32 to vector<16xi32>
      %add3A_122 = arith.addi %add3A_112, %add3A_121 : vector<16xi32>
      %add3A_123 = arith.constant 0 : i32
      %add3A_124 = vector.broadcast %add3A_123 : i32 to vector<16xi32>
      %add3A_125 = arith.addi %xor3A_120, %add3A_124 : vector<16xi32>
      %add3A_126 = arith.constant 2 : i32
      %add3A_127 = vector.broadcast %add3A_126 : i32 to vector<16xi32>
      %add3A_128 = arith.addi %add3A_125, %add3A_127 : vector<16xi32>
      %add3A_129 = arith.addi %add3A_122, %add3A_128 : vector<16xi32>
      %shift_left3A_130 = arith.constant 13 : i32
      %shift_left3A_131 = vector.broadcast %shift_left3A_130 : i32 to vector<16xi32>
      %shift_left3A_132 = arith.shli %add3A_128, %shift_left3A_131 : vector<16xi32>
      %shift_right_logical3A_133 = arith.constant 19 : i32
      %shift_right_logical3A_134 = vector.broadcast %shift_right_logical3A_133 : i32 to vector<16xi32>
      %shift_right_logical3A_135 = arith.shrui %add3A_128, %shift_right_logical3A_134 : vector<16xi32>
      %or3A_136 = arith.ori %shift_left3A_132, %shift_right_logical3A_135 : vector<16xi32>
      %xor3A_137 = arith.xori %or3A_136, %add3A_129 : vector<16xi32>
      %add3A_138 = arith.addi %add3A_129, %xor3A_137 : vector<16xi32>
      %shift_left3A_139 = arith.constant 15 : i32
      %shift_left3A_140 = vector.broadcast %shift_left3A_139 : i32 to vector<16xi32>
      %shift_left3A_141 = arith.shli %xor3A_137, %shift_left3A_140 : vector<16xi32>
      %shift_right_logical3A_142 = arith.constant 17 : i32
      %shift_right_logical3A_143 = vector.broadcast %shift_right_logical3A_142 : i32 to vector<16xi32>
      %shift_right_logical3A_144 = arith.shrui %xor3A_137, %shift_right_logical3A_143 : vector<16xi32>
      %or3A_145 = arith.ori %shift_left3A_141, %shift_right_logical3A_144 : vector<16xi32>
      %xor3A_146 = arith.xori %or3A_145, %add3A_138 : vector<16xi32>
      %add3A_147 = arith.addi %add3A_138, %xor3A_146 : vector<16xi32>
      %shift_left3A_148 = arith.constant 26 : i32
      %shift_left3A_149 = vector.broadcast %shift_left3A_148 : i32 to vector<16xi32>
      %shift_left3A_150 = arith.shli %xor3A_146, %shift_left3A_149 : vector<16xi32>
      %shift_right_logical3A_151 = arith.constant 6 : i32
      %shift_right_logical3A_152 = vector.broadcast %shift_right_logical3A_151 : i32 to vector<16xi32>
      %shift_right_logical3A_153 = arith.shrui %xor3A_146, %shift_right_logical3A_152 : vector<16xi32>
      %or3A_154 = arith.ori %shift_left3A_150, %shift_right_logical3A_153 : vector<16xi32>
      %xor3A_155 = arith.xori %or3A_154, %add3A_147 : vector<16xi32>
      %add3A_156 = arith.addi %add3A_147, %xor3A_155 : vector<16xi32>
      %shift_left3A_157 = arith.constant 6 : i32
      %shift_left3A_158 = vector.broadcast %shift_left3A_157 : i32 to vector<16xi32>
      %shift_left3A_159 = arith.shli %xor3A_155, %shift_left3A_158 : vector<16xi32>
      %shift_right_logical3A_160 = arith.constant 26 : i32
      %shift_right_logical3A_161 = vector.broadcast %shift_right_logical3A_160 : i32 to vector<16xi32>
      %shift_right_logical3A_162 = arith.shrui %xor3A_155, %shift_right_logical3A_161 : vector<16xi32>
      %or3A_163 = arith.ori %shift_left3A_159, %shift_right_logical3A_162 : vector<16xi32>
      %xor3A_164 = arith.xori %or3A_163, %add3A_156 : vector<16xi32>
      %add3A_165 = arith.constant 0 : i32
      %add3A_166 = vector.broadcast %add3A_165 : i32 to vector<16xi32>
      %add3A_167 = arith.addi %add3A_156, %add3A_166 : vector<16xi32>
      %add3A_168 = arith.constant 1 : i32
      %add3A_169 = vector.broadcast %add3A_168 : i32 to vector<16xi32>
      %add3A_170 = arith.addi %xor3A_164, %add3A_169 : vector<16xi32>
      %add3A_171 = arith.constant 3 : i32
      %add3A_172 = vector.broadcast %add3A_171 : i32 to vector<16xi32>
      %add3A_173 = arith.addi %add3A_170, %add3A_172 : vector<16xi32>
      %add3A_174 = arith.addi %add3A_167, %add3A_173 : vector<16xi32>
      %shift_left3A_175 = arith.constant 17 : i32
      %shift_left3A_176 = vector.broadcast %shift_left3A_175 : i32 to vector<16xi32>
      %shift_left3A_177 = arith.shli %add3A_173, %shift_left3A_176 : vector<16xi32>
      %shift_right_logical3A_178 = arith.constant 15 : i32
      %shift_right_logical3A_179 = vector.broadcast %shift_right_logical3A_178 : i32 to vector<16xi32>
      %shift_right_logical3A_180 = arith.shrui %add3A_173, %shift_right_logical3A_179 : vector<16xi32>
      %or3A_181 = arith.ori %shift_left3A_177, %shift_right_logical3A_180 : vector<16xi32>
      %xor3A_182 = arith.xori %or3A_181, %add3A_174 : vector<16xi32>
      %add3A_183 = arith.addi %add3A_174, %xor3A_182 : vector<16xi32>
      %shift_left3A_184 = arith.constant 29 : i32
      %shift_left3A_185 = vector.broadcast %shift_left3A_184 : i32 to vector<16xi32>
      %shift_left3A_186 = arith.shli %xor3A_182, %shift_left3A_185 : vector<16xi32>
      %shift_right_logical3A_187 = arith.constant 3 : i32
      %shift_right_logical3A_188 = vector.broadcast %shift_right_logical3A_187 : i32 to vector<16xi32>
      %shift_right_logical3A_189 = arith.shrui %xor3A_182, %shift_right_logical3A_188 : vector<16xi32>
      %or3A_190 = arith.ori %shift_left3A_186, %shift_right_logical3A_189 : vector<16xi32>
      %xor3A_191 = arith.xori %or3A_190, %add3A_183 : vector<16xi32>
      %add3A_192 = arith.addi %add3A_183, %xor3A_191 : vector<16xi32>
      %shift_left3A_193 = arith.constant 16 : i32
      %shift_left3A_194 = vector.broadcast %shift_left3A_193 : i32 to vector<16xi32>
      %shift_left3A_195 = arith.shli %xor3A_191, %shift_left3A_194 : vector<16xi32>
      %shift_right_logical3A_196 = arith.constant 16 : i32
      %shift_right_logical3A_197 = vector.broadcast %shift_right_logical3A_196 : i32 to vector<16xi32>
      %shift_right_logical3A_198 = arith.shrui %xor3A_191, %shift_right_logical3A_197 : vector<16xi32>
      %or3A_199 = arith.ori %shift_left3A_195, %shift_right_logical3A_198 : vector<16xi32>
      %xor3A_200 = arith.xori %or3A_199, %add3A_192 : vector<16xi32>
      %add3A_201 = arith.addi %add3A_192, %xor3A_200 : vector<16xi32>
      %shift_left3A_202 = arith.constant 24 : i32
      %shift_left3A_203 = vector.broadcast %shift_left3A_202 : i32 to vector<16xi32>
      %shift_left3A_204 = arith.shli %xor3A_200, %shift_left3A_203 : vector<16xi32>
      %shift_right_logical3A_205 = arith.constant 8 : i32
      %shift_right_logical3A_206 = vector.broadcast %shift_right_logical3A_205 : i32 to vector<16xi32>
      %shift_right_logical3A_207 = arith.shrui %xor3A_200, %shift_right_logical3A_206 : vector<16xi32>
      %or3A_208 = arith.ori %shift_left3A_204, %shift_right_logical3A_207 : vector<16xi32>
      %xor3A_209 = arith.xori %or3A_208, %add3A_201 : vector<16xi32>
      %add3A_210 = arith.constant 1 : i32
      %add3A_211 = vector.broadcast %add3A_210 : i32 to vector<16xi32>
      %add3A_212 = arith.addi %add3A_201, %add3A_211 : vector<16xi32>
      %add3A_213 = vector.broadcast %xor3A_37 : i32 to vector<16xi32>
      %add3A_214 = arith.addi %xor3A_209, %add3A_213 : vector<16xi32>
      %add3A_215 = arith.constant 4 : i32
      %add3A_216 = vector.broadcast %add3A_215 : i32 to vector<16xi32>
      %add3A_217 = arith.addi %add3A_214, %add3A_216 : vector<16xi32>
      %add3A_218 = arith.addi %add3A_212, %add3A_217 : vector<16xi32>
      %shift_left3A_219 = arith.constant 13 : i32
      %shift_left3A_220 = vector.broadcast %shift_left3A_219 : i32 to vector<16xi32>
      %shift_left3A_221 = arith.shli %add3A_217, %shift_left3A_220 : vector<16xi32>
      %shift_right_logical3A_222 = arith.constant 19 : i32
      %shift_right_logical3A_223 = vector.broadcast %shift_right_logical3A_222 : i32 to vector<16xi32>
      %shift_right_logical3A_224 = arith.shrui %add3A_217, %shift_right_logical3A_223 : vector<16xi32>
      %or3A_225 = arith.ori %shift_left3A_221, %shift_right_logical3A_224 : vector<16xi32>
      %xor3A_226 = arith.xori %or3A_225, %add3A_218 : vector<16xi32>
      %add3A_227 = arith.addi %add3A_218, %xor3A_226 : vector<16xi32>
      %shift_left3A_228 = arith.constant 15 : i32
      %shift_left3A_229 = vector.broadcast %shift_left3A_228 : i32 to vector<16xi32>
      %shift_left3A_230 = arith.shli %xor3A_226, %shift_left3A_229 : vector<16xi32>
      %shift_right_logical3A_231 = arith.constant 17 : i32
      %shift_right_logical3A_232 = vector.broadcast %shift_right_logical3A_231 : i32 to vector<16xi32>
      %shift_right_logical3A_233 = arith.shrui %xor3A_226, %shift_right_logical3A_232 : vector<16xi32>
      %or3A_234 = arith.ori %shift_left3A_230, %shift_right_logical3A_233 : vector<16xi32>
      %xor3A_235 = arith.xori %or3A_234, %add3A_227 : vector<16xi32>
      %add3A_236 = arith.addi %add3A_227, %xor3A_235 : vector<16xi32>
      %shift_left3A_237 = arith.constant 26 : i32
      %shift_left3A_238 = vector.broadcast %shift_left3A_237 : i32 to vector<16xi32>
      %shift_left3A_239 = arith.shli %xor3A_235, %shift_left3A_238 : vector<16xi32>
      %shift_right_logical3A_240 = arith.constant 6 : i32
      %shift_right_logical3A_241 = vector.broadcast %shift_right_logical3A_240 : i32 to vector<16xi32>
      %shift_right_logical3A_242 = arith.shrui %xor3A_235, %shift_right_logical3A_241 : vector<16xi32>
      %or3A_243 = arith.ori %shift_left3A_239, %shift_right_logical3A_242 : vector<16xi32>
      %xor3A_244 = arith.xori %or3A_243, %add3A_236 : vector<16xi32>
      %add3A_245 = arith.addi %add3A_236, %xor3A_244 : vector<16xi32>
      %shift_left3A_246 = arith.constant 6 : i32
      %shift_left3A_247 = vector.broadcast %shift_left3A_246 : i32 to vector<16xi32>
      %shift_left3A_248 = arith.shli %xor3A_244, %shift_left3A_247 : vector<16xi32>
      %shift_right_logical3A_249 = arith.constant 26 : i32
      %shift_right_logical3A_250 = vector.broadcast %shift_right_logical3A_249 : i32 to vector<16xi32>
      %shift_right_logical3A_251 = arith.shrui %xor3A_244, %shift_right_logical3A_250 : vector<16xi32>
      %or3A_252 = arith.ori %shift_left3A_248, %shift_right_logical3A_251 : vector<16xi32>
      %xor3A_253 = arith.xori %or3A_252, %add3A_245 : vector<16xi32>
      %add3A_254 = vector.broadcast %xor3A_37 : i32 to vector<16xi32>
      %add3A_255 = arith.addi %add3A_245, %add3A_254 : vector<16xi32>
      %add3A_256 = arith.constant 0 : i32
      %add3A_257 = vector.broadcast %add3A_256 : i32 to vector<16xi32>
      %add3A_258 = arith.addi %xor3A_253, %add3A_257 : vector<16xi32>
      %add3A_259 = arith.constant 5 : i32
      %add3A_260 = vector.broadcast %add3A_259 : i32 to vector<16xi32>
      %add3A_261 = arith.addi %add3A_258, %add3A_260 : vector<16xi32>
      %xor3A_262 = arith.xori %add3A_255, %add3A_261 : vector<16xi32>
      %shift_right_logical3A_263 = arith.constant 9 : i32
      %shift_right_logical3A_264 = vector.broadcast %shift_right_logical3A_263 : i32 to vector<16xi32>
      %shift_right_logical3A_265 = arith.shrui %xor3A_262, %shift_right_logical3A_264 : vector<16xi32>
      %or3A_266 = arith.constant 1065353216 : i32
      %or3A_267 = vector.broadcast %or3A_266 : i32 to vector<16xi32>
      %or3A_268 = arith.ori %shift_right_logical3A_265, %or3A_267 : vector<16xi32>
      %bitcast_convert_type3A = tpu.bitcast %or3A_268 : vector<16xi32> -> vector<16xf32>
      %sub3A = arith.constant 1.000000e+00 : f32
      %sub3A_269 = vector.broadcast %sub3A : f32 to vector<16xf32>
      %sub3A_270 = arith.subf %bitcast_convert_type3A, %sub3A_269 : vector<16xf32>
      %get3A = arith.constant 0 : i32
      %get3A_271 = arith.index_cast %get3A : i32 to index
      %get3A_272 = arith.index_cast %mul3A_26 : i32 to index
      %get3A_273 = tpu.vector_load %arg6[%get3A_271, %get3A_272] {strides = array<i32>} : memref<4x15616xf32, #tpu.memory_space<vmem>>, vector<1x16xf32>,
      %get3A_274 = vector.shape_cast %get3A_273 : vector<1x16xf32> to vector<16xf32>
      %get3A_275 = arith.constant 1 : i32
      %get3A_276 = arith.index_cast %get3A_275 : i32 to index
      %get3A_277 = arith.index_cast %mul3A_26 : i32 to index
      %get3A_278 = tpu.vector_load %arg6[%get3A_276, %get3A_277] {strides = array<i32>} : memref<4x15616xf32, #tpu.memory_space<vmem>>, vector<1x16xf32>,
      %get3A_279 = vector.shape_cast %get3A_278 : vector<1x16xf32> to vector<16xf32>
      %get3A_280 = arith.constant 2 : i32
      %get3A_281 = arith.index_cast %get3A_280 : i32 to index
      %get3A_282 = arith.index_cast %mul3A_26 : i32 to index
      %get3A_283 = tpu.vector_load %arg6[%get3A_281, %get3A_282] {strides = array<i32>} : memref<4x15616xf32, #tpu.memory_space<vmem>>, vector<1x16xf32>,
      %get3A_284 = vector.shape_cast %get3A_283 : vector<1x16xf32> to vector<16xf32>
      %get3A_285 = arith.constant 3 : i32
      %get3A_286 = arith.index_cast %get3A_285 : i32 to index
      %get3A_287 = arith.index_cast %mul3A_26 : i32 to index
      %get3A_288 = tpu.vector_load %arg6[%get3A_286, %get3A_287] {strides = array<i32>} : memref<4x15616xf32, #tpu.memory_space<vmem>>, vector<1x16xf32>,
      %get3A_289 = vector.shape_cast %get3A_288 : vector<1x16xf32> to vector<16xf32>
      %add3A_290 = arith.addf %get3A_274, %get3A_279 : vector<16xf32>
      %add3A_291 = arith.addf %add3A_290, %get3A_284 : vector<16xf32>
      %add3A_292 = arith.addf %add3A_291, %get3A_289 : vector<16xf32>
      %gt3A = arith.cmpf ogt, %sub3A_270, %get3A_274 : vector<16xf32>
      %gt3A_293 = arith.cmpf ogt, %sub3A_270, %add3A_290 : vector<16xf32>
      %gt3A_294 = arith.cmpf ogt, %sub3A_270, %add3A_291 : vector<16xf32>
      %gt3A_295 = arith.cmpf ogt, %sub3A_270, %add3A_292 : vector<16xf32>
      %broadcast_in_dim3A_296 = arith.constant 1 : i32
      %broadcast_in_dim3A_297 = vector.broadcast %broadcast_in_dim3A_296 : i32 to vector<16xi32>
      %broadcast_in_dim3A_298 = arith.constant 0 : i32
      %broadcast_in_dim3A_299 = vector.broadcast %broadcast_in_dim3A_298 : i32 to vector<16xi32>
      %select_n3A = arith.select %gt3A, %broadcast_in_dim3A_297, %broadcast_in_dim3A_299 : vector<16xi1>, vector<16xi32>
      %select_n3A_300 = arith.select %gt3A_293, %broadcast_in_dim3A_297, %broadcast_in_dim3A_299 : vector<16xi1>, vector<16xi32>
      %add3A_301 = arith.addi %select_n3A, %select_n3A_300 : vector<16xi32>
      %select_n3A_302 = arith.select %gt3A_294, %broadcast_in_dim3A_297, %broadcast_in_dim3A_299 : vector<16xi1>, vector<16xi32>
      %add3A_303 = arith.addi %add3A_301, %select_n3A_302 : vector<16xi32>
      %select_n3A_304 = arith.select %gt3A_295, %broadcast_in_dim3A_297, %broadcast_in_dim3A_299 : vector<16xi1>, vector<16xi32>
      %add3A_305 = arith.addi %add3A_303, %select_n3A_304 : vector<16xi32>
      %select_n3A_306 = arith.select %gt3A, %get3A_279, %get3A_274 : vector<16xi1>, vector<16xf32>
      %select_n3A_307 = arith.select %gt3A_293, %get3A_284, %select_n3A_306 : vector<16xi1>, vector<16xf32>
      %select_n3A_308 = arith.select %gt3A_294, %get3A_289, %select_n3A_307 : vector<16xi1>, vector<16xf32>
      %swap3A_309 = arith.index_cast %mul3A_26 : i32 to index
      %swap3A_310 = tpu.vector_load %arg8[%swap3A_309] {strides = array<i32>} : memref<15616xi32, #tpu.memory_space<vmem>>, vector<16xi32>,
      %swap3A_311 = vector.shape_cast %swap3A_310 : vector<16xi32> to vector<16xi32>
      %swap3A_312 = vector.shape_cast %add3A_305 : vector<16xi32> to vector<16xi32>
      tpu.vector_store %arg8[%swap3A_309], %swap3A_312 {strides = array<i32>} : memref<15616xi32, #tpu.memory_space<vmem>>, vector<16xi32>,
      %get3A_313 = arith.index_cast %mul3A_26 : i32 to index
      %get3A_314 = tpu.vector_load %arg7[%get3A_313] {strides = array<i32>} : memref<15616xf32, #tpu.memory_space<vmem>>, vector<16xf32>,
      %get3A_315 = vector.shape_cast %get3A_314 : vector<16xf32> to vector<16xf32>
      %bitcast_convert_type3A_316 = tpu.bitcast %select_n3A_308 : vector<16xf32> -> vector<16xi32>
      %shift_right_logical3A_317 = arith.constant 23 : i32
      %shift_right_logical3A_318 = vector.broadcast %shift_right_logical3A_317 : i32 to vector<16xi32>
      %shift_right_logical3A_319 = arith.shrui %bitcast_convert_type3A_316, %shift_right_logical3A_318 : vector<16xi32>
      %and3A = arith.constant 255 : i32
      %and3A_320 = vector.broadcast %and3A : i32 to vector<16xi32>
      %and3A_321 = arith.andi %shift_right_logical3A_319, %and3A_320 : vector<16xi32>
      %sub3A_322 = arith.constant 127 : i32
      %sub3A_323 = vector.broadcast %sub3A_322 : i32 to vector<16xi32>
      %sub3A_324 = arith.subi %and3A_321, %sub3A_323 : vector<16xi32>
      %convert_element_type3A = arith.sitofp %sub3A_324 : vector<16xi32> to vector<16xf32>
      %and3A_325 = arith.constant 8388607 : i32
      %and3A_326 = vector.broadcast %and3A_325 : i32 to vector<16xi32>
      %and3A_327 = arith.andi %bitcast_convert_type3A_316, %and3A_326 : vector<16xi32>
      %or3A_328 = arith.constant 1065353216 : i32
      %or3A_329 = vector.broadcast %or3A_328 : i32 to vector<16xi32>
      %or3A_330 = arith.ori %and3A_327, %or3A_329 : vector<16xi32>
      %bitcast_convert_type3A_331 = tpu.bitcast %or3A_330 : vector<16xi32> -> vector<16xf32>
      %gt3A_332 = arith.constant 1.41421354 : f32
      %gt3A_333 = vector.broadcast %gt3A_332 : f32 to vector<16xf32>
      %gt3A_334 = arith.cmpf ogt, %bitcast_convert_type3A_331, %gt3A_333 : vector<16xf32>
      %mul3A_335 = arith.constant 5.000000e-01 : f32
      %mul3A_336 = vector.broadcast %mul3A_335 : f32 to vector<16xf32>
      %mul3A_337 = arith.mulf %bitcast_convert_type3A_331, %mul3A_336 : vector<16xf32>
      %select_n3A_338 = arith.select %gt3A_334, %mul3A_337, %bitcast_convert_type3A_331 : vector<16xi1>, vector<16xf32>
      %add3A_339 = arith.constant 1.000000e+00 : f32
      %add3A_340 = vector.broadcast %add3A_339 : f32 to vector<16xf32>
      %add3A_341 = arith.addf %convert_element_type3A, %add3A_340 : vector<16xf32>
      %select_n3A_342 = arith.select %gt3A_334, %add3A_341, %convert_element_type3A : vector<16xi1>, vector<16xf32>
      %sub3A_343 = arith.constant 1.000000e+00 : f32
      %sub3A_344 = vector.broadcast %sub3A_343 : f32 to vector<16xf32>
      %sub3A_345 = arith.subf %select_n3A_338, %sub3A_344 : vector<16xf32>
      %add3A_346 = arith.constant 1.000000e+00 : f32
      %add3A_347 = vector.broadcast %add3A_346 : f32 to vector<16xf32>
      %add3A_348 = arith.addf %select_n3A_338, %add3A_347 : vector<16xf32>
      %div3A = arith.divf %sub3A_345, %add3A_348 : vector<16xf32>
      %mul3A_349 = arith.mulf %div3A, %div3A : vector<16xf32>
      %mul3A_350 = arith.constant 0.285714298 : f32
      %mul3A_351 = vector.broadcast %mul3A_350 : f32 to vector<16xf32>
      %mul3A_352 = arith.mulf %mul3A_349, %mul3A_351 : vector<16xf32>
      %add3A_353 = arith.constant 4.000000e-01 : f32
      %add3A_354 = vector.broadcast %add3A_353 : f32 to vector<16xf32>
      %add3A_355 = arith.addf %add3A_354, %mul3A_352 : vector<16xf32>
      %mul3A_356 = arith.mulf %mul3A_349, %add3A_355 : vector<16xf32>
      %add3A_357 = arith.constant 0.666666686 : f32
      %add3A_358 = vector.broadcast %add3A_357 : f32 to vector<16xf32>
      %add3A_359 = arith.addf %add3A_358, %mul3A_356 : vector<16xf32>
      %mul3A_360 = arith.mulf %mul3A_349, %add3A_359 : vector<16xf32>
      %add3A_361 = arith.constant 2.000000e+00 : f32
      %add3A_362 = vector.broadcast %add3A_361 : f32 to vector<16xf32>
      %add3A_363 = arith.addf %add3A_362, %mul3A_360 : vector<16xf32>
      %mul3A_364 = arith.mulf %div3A, %add3A_363 : vector<16xf32>
      %mul3A_365 = arith.constant 0.693147182 : f32
      %mul3A_366 = vector.broadcast %mul3A_365 : f32 to vector<16xf32>
      %mul3A_367 = arith.mulf %select_n3A_342, %mul3A_366 : vector<16xf32>
      %add3A_368 = arith.addf %mul3A_367, %mul3A_364 : vector<16xf32>
      %mul3A_369 = arith.mulf %get3A_315, %add3A_368 : vector<16xf32>
      %add3A_370 = arith.addf %scan3A_24, %mul3A_369 : vector<16xf32>
      scf.yield %add3A_370 : vector<16xf32>
    }
    %scan3A_19 = arith.constant 976 : i32
    "tpu.region"() ({
      %run_scoped3A = tpu.sem_alloc : memref<!tpu.dma_semaphore, #tpu.memory_space<semaphore_mem>>
      %dma_start3A = tpu.memref_slice %arg4[%multiple_of3A_13] : memref<999424xi32, #tpu.memory_space<hbm>> -> memref<15616xi32, #tpu.memory_space<hbm>>
      %dma_start3A_23 = tpu.memref_slice %arg4[%multiple_of3A_13] : memref<999424xi32, #tpu.memory_space<hbm>> -> memref<15616xi32, #tpu.memory_space<hbm>>
      tpu.enqueue_dma source(%arg8 : memref<15616xi32, #tpu.memory_space<vmem>>) target(%dma_start3A_23 : memref<15616xi32, #tpu.memory_space<hbm>>) target_semaphore(%run_scoped3A : memref<!tpu.dma_semaphore, #tpu.memory_space<semaphore_mem>>)
      %dma_wait3A = tpu.memref_slice %arg4[%multiple_of3A_13] : memref<999424xi32, #tpu.memory_space<hbm>> -> memref<15616xi32, #tpu.memory_space<hbm>>
      %dma_wait3A_24 = tpu.memref_slice %arg4[%multiple_of3A_13] : memref<999424xi32, #tpu.memory_space<hbm>> -> memref<15616xi32, #tpu.memory_space<hbm>>
      tpu.wait_dma2 semaphore(%run_scoped3A : memref<!tpu.dma_semaphore, #tpu.memory_space<semaphore_mem>>) src(%arg8 : memref<15616xi32, #tpu.memory_space<vmem>>) dst(%dma_wait3A_24 : memref<15616xi32, #tpu.memory_space<hbm>>)
      tpu.yield
    }) : () -> ()
    %swap3A = arith.constant 0 : index
    %swap3A_20 = tpu.vector_load %arg9[%swap3A] {strides = array<i32>} : memref<16xf32, #tpu.memory_space<vmem>>, vector<16xf32>,
    %swap3A_21 = vector.shape_cast %swap3A_20 : vector<16xf32> to vector<16xf32>
    %swap3A_22 = vector.shape_cast %scan3A_18 : vector<16xf32> to vector<16xf32>
    tpu.vector_store %arg9[%swap3A], %swap3A_22 {strides = array<i32>} : memref<16xf32, #tpu.memory_space<vmem>>, vector<16xf32>,
    "tpu.region"() ({
      %run_scoped3A = tpu.sem_alloc : memref<!tpu.dma_semaphore, #tpu.memory_space<semaphore_mem>>
      %dma_start3A = arith.constant 0 : i32
      %dma_start3A_23 = tpu.memref_slice %arg5[%add3A, %dma_start3A] : memref<32x16xf32, #tpu.memory_space<hbm>> -> memref<1x16xf32, #tpu.memory_space<hbm>>
      %dma_start3A_24 = tpu.memref_squeeze %dma_start3A_23 : memref<1x16xf32, #tpu.memory_space<hbm>> -> memref<16xf32, #tpu.memory_space<hbm>>
      %dma_start3A_25 = arith.constant 0 : i32
      %dma_start3A_26 = tpu.memref_slice %arg5[%add3A, %dma_start3A_25] : memref<32x16xf32, #tpu.memory_space<hbm>> -> memref<1x16xf32, #tpu.memory_space<hbm>>
      %dma_start3A_27 = tpu.memref_squeeze %dma_start3A_26 : memref<1x16xf32, #tpu.memory_space<hbm>> -> memref<16xf32, #tpu.memory_space<hbm>>
      tpu.enqueue_dma source(%arg9 : memref<16xf32, #tpu.memory_space<vmem>>) target(%dma_start3A_27 : memref<16xf32, #tpu.memory_space<hbm>>) target_semaphore(%run_scoped3A : memref<!tpu.dma_semaphore, #tpu.memory_space<semaphore_mem>>)
      %dma_wait3A = arith.constant 0 : i32
      %dma_wait3A_28 = tpu.memref_slice %arg5[%add3A, %dma_wait3A] : memref<32x16xf32, #tpu.memory_space<hbm>> -> memref<1x16xf32, #tpu.memory_space<hbm>>
      %dma_wait3A_29 = tpu.memref_squeeze %dma_wait3A_28 : memref<1x16xf32, #tpu.memory_space<hbm>> -> memref<16xf32, #tpu.memory_space<hbm>>
      %dma_wait3A_30 = arith.constant 0 : i32
      %dma_wait3A_31 = tpu.memref_slice %arg5[%add3A, %dma_wait3A_30] : memref<32x16xf32, #tpu.memory_space<hbm>> -> memref<1x16xf32, #tpu.memory_space<hbm>>
      %dma_wait3A_32 = tpu.memref_squeeze %dma_wait3A_31 : memref<1x16xf32, #tpu.memory_space<hbm>> -> memref<16xf32, #tpu.memory_space<hbm>>
      tpu.wait_dma2 semaphore(%run_scoped3A : memref<!tpu.dma_semaphore, #tpu.memory_space<semaphore_mem>>) src(%arg9 : memref<16xf32, #tpu.memory_space<vmem>>) dst(%dma_wait3A_32 : memref<16xf32, #tpu.memory_space<hbm>>)
      tpu.yield
    }) : () -> ()
    return
  }
}

</mosaic_0001>

<sc_bundles>
// kernel: kernel.3.cloned.1.call-start
scs
__scs_entry_jumppad:
0x0: {  	(pc) =	sbr.rel $0x88, $3  }
0x1: {  	(tag) =	ssettag $0x0;
	lr =	simm.s32 $0x1  }
0x2: {  	[smem:$0x3F9F] =	sst lr;
	_ =	strace $0xD0000000  }
0x3: {  	_ = 	snop  }
0x4: {  	_ = 	snop  }
0x5: {  	_ = 	snop  }
0x6: {  	_ = 	snop  }
0x7: {  	_ = 	snop  }
__scs_overlays_trampoline_lowered:
0x8: {  	[smem:$0x3FAE] =	sst s0  }
0x9: {  	[smem:$0x3FAF] =	sst s1  }
0xa: {  	[smem:$0x3FB0] =	sst s2  }
0xb: {  	[smem:$0x3FB1] =	sst s3  }
0xc: {  	[smem:$0x3FB2] =	sst s4  }
0xd: {  	[smem:$0x3FB3] =	sst s5  }
0xe: {  	[smem:$0x3FB4] =	sst s6  }
0xf: {  	[smem:$0x3FB5] =	sst s7  }
0x10: {  	[smem:$0x3FB6] =	sst s8  }
0x11: {  	[smem:$0x3FB7] =	sst s9;
	s0 =	simm.s32 @!p0 $0x0  }
0x12: {  	s1 =	sld [smem:$0x3F9D];
	s0 =	simm.s32 @p0 $0x1  }
0x13: {  	[smem:$0x3FB8] =	sst s0;
	s0 =	simm.s32 @!p1 $0x0  }
0x14: {  	s2 =	sld [smem:$0x3F9C];
	s0 =	simm.s32 @p1 $0x1  }
0x15: {  	[smem:$0x3FB9] =	sst s0;
	s0 =	simm.s32 @!p2 $0x0  }
0x16: {  	s3 =	sld [smem:$0x3FDB];
	s0 =	simm.s32 @p2 $0x1  }
0x17: {  	s4 =	simm.s32 $0x1BF5;
	[smem:$0x3FBB] =	sst s0  }
0x18: {  	s0 =	sld [smem:$0x3F9E];
	_ =	swait.ge [sflag:s4], $0x0  }
0x19: {  	s7 =	sld [smem:$0x3F9F]  }
0x1a: {  	s8 =	sadd.s32 $0xFFFFE003, lr  }
0x1b: {  	s9 =	sadd.s32 $0xFFFFFEF7, lr;
	s5 =	simm.s32 $0xFFFFFFFF;
	p2 =	slt.u32 s8, $0xFFFFF086  }
0x1c: {  	p1 =	slt.u32 s9, $0xF7A;
	s5 =	simm.s32 @!p2 $0x0  }
0x1d: {  	s5 =	simm.s32 @p1 $0x1;
	p0 =	seq.s32 s7, s2  }
0x1e: {  	s7 =	smul.u32 @!p0 $0xF7A, s2;
	p2 =	seq.s32 @!p0 s5, $0x0  }
0x1f: {  	s9 =	smul.u32 $0xF7A, s1;
	s8 =	simm.s32 @!p0 $0x1BF5;
	p2 =	por !p2, p0  }
0x20: {  	[sflag:s8] =	ssyncset.s32 @!p0 $0xFFFFF086;
	s6 =	sadd.s32 @!p0 s3, s7;
	s7 =	simm.s32 @!p0 $0x108  }
0x21: {  	s3 =	sadd.s32 s3, s9;
	s6 =	sadd.s32 @!p0 $0x88, s6;
	s7 =	simm.s32 @p2 $0x1082  }
0x22: {  	[simem:s7], [sflag:s8] =	dma.local @!p0 [hbm:s6], $0xF7A  }
0x23: {  	s9 =	sor.u32 $0xD0000000, s2;
	s6 =	simm.s32 $0x108;
	_ =	swait.ge @!p0 [sflag:s8], $0x0  }
0x24: {  	s3 =	sadd.s32 $0x88, s3;
	s6 =	simm.s32 @!p1 $0x1082;
	[sflag:s4] =	ssyncset.s32 $0xFFFFF086  }
0x25: {  	[simem:s6], [sflag:s4] =	dma.local [hbm:s3], $0xF7A  }
0x26: {  	[smem:$0x3F9F] =	sst s1;
	(tag) =	ssettag s2;
	_ =	strace s9  }
0x27: {  	s1 =	sld [smem:$0x3FAF]  }
0x28: {  	s2 =	sld [smem:$0x3FB0]  }
0x29: {  	s4 =	sld [smem:$0x3FB2]  }
0x2a: {  	p0 =	seq.s32 s5, $0x0;
	s5 =	sld [smem:$0x3FB3]  }
0x2b: {  	s6 =	sld [smem:$0x3FB4]  }
0x2c: {  	s7 =	sld [smem:$0x3FB5]  }
0x2d: {  	s3 =	simm.s32 $0x108;
	s8 =	sld [smem:$0x3FB6]  }
0x2e: {  	s3 =	simm.s32 @!p0 $0x1082;
	s9 =	sld [smem:$0x3FB7]  }
0x2f: {  	lr =	sadd.s32 s0, s3;
	s0 =	sld [smem:$0x3FAE]  }
0x30: {  	s3 =	sld [smem:$0x3FB1]  }
0x31: {  	[smem:$0x3FBA] =	sst s10  }
0x32: {  	s10 =	sld [smem:$0x3FB8];
	_ =	sdelay $0x3  }
0x33: {  	p0 =	seq.s32 s10, $0x1;
	s10 =	sld [smem:$0x3FBA];
	_ =	sdelay $0x3  }
0x34: {  	[smem:$0x3FBA] =	sst s10  }
0x35: {  	s10 =	sld [smem:$0x3FB9];
	_ =	sdelay $0x3  }
0x36: {  	p1 =	seq.s32 s10, $0x1;
	s10 =	sld [smem:$0x3FBA];
	_ =	sdelay $0x3  }
0x37: {  	[smem:$0x3FBA] =	sst s10  }
0x38: {  	s10 =	sld [smem:$0x3FBB]  }
0x39: {  	_ = 	snop;
	(pc) =	sbr.ind lr, $3  }
0x3a: {  	_ = 	snop  }
0x3b: {  	_ = 	snop  }
0x3c: {  	p2 =	seq.s32 s10, $0x1;
	s10 =	sld [smem:$0x3FBA]  }
0x3d: {  	_ =	shalt  }
0x3e: {  	_ =	shalt  }
0x3f: {  	_ =	shalt  }
0x40: {  	_ =	shalt  }
0x41: {  	_ =	shalt  }
0x42: {  	_ =	shalt  }
0x43: {  	_ =	shalt  }
0x44: {  	_ =	shalt  }
0x45: {  	_ =	shalt  }
0x46: {  	_ =	shalt  }
0x47: {  	_ =	shalt  }
0x48: {  	_ =	shalt  }
0x49: {  	_ =	shalt  }
0x4a: {  	_ =	shalt  }
0x4b: {  	_ =	shalt  }
0x4c: {  	_ =	shalt  }
0x4d: {  	_ =	shalt  }
0x4e: {  	_ =	shalt  }
0x4f: {  	_ =	shalt  }
0x50: {  	_ =	shalt  }
0x51: {  	_ =	shalt  }
0x52: {  	_ =	shalt  }
0x53: {  	_ =	shalt  }
0x54: {  	_ =	shalt  }
0x55: {  	_ =	shalt  }
0x56: {  	_ =	shalt  }
0x57: {  	_ =	shalt  }
0x58: {  	_ =	shalt  }
0x59: {  	_ =	shalt  }
0x5a: {  	_ =	shalt  }
0x5b: {  	_ =	shalt  }
0x5c: {  	_ =	shalt  }
0x5d: {  	_ =	shalt  }
0x5e: {  	_ =	shalt  }
0x5f: {  	_ =	shalt  }
0x60: {  	_ =	shalt  }
0x61: {  	_ =	shalt  }
0x62: {  	_ =	shalt  }
0x63: {  	_ =	shalt  }
0x64: {  	_ =	shalt  }
0x65: {  	_ =	shalt  }
0x66: {  	_ =	shalt  }
0x67: {  	_ =	shalt  }
0x68: {  	_ =	shalt  }
0x69: {  	_ =	shalt  }
0x6a: {  	_ =	shalt  }
0x6b: {  	_ =	shalt  }
0x6c: {  	_ =	shalt  }
0x6d: {  	_ =	shalt  }
0x6e: {  	_ =	shalt  }
0x6f: {  	_ =	shalt  }
0x70: {  	_ =	shalt  }
0x71: {  	_ =	shalt  }
0x72: {  	_ =	shalt  }
0x73: {  	_ =	shalt  }
0x74: {  	_ =	shalt  }
0x75: {  	_ =	shalt  }
0x76: {  	_ =	shalt  }
0x77: {  	_ =	shalt  }
0x78: {  	_ =	shalt  }
0x79: {  	_ =	shalt  }
0x7a: {  	_ =	shalt  }
0x7b: {  	_ =	shalt  }
0x7c: {  	_ =	shalt  }
0x7d: {  	_ =	shalt  }
0x7e: {  	_ =	shalt  }
0x7f: {  	_ =	shalt  }
0x80: {  	_ =	shalt  }
0x81: {  	_ =	shalt  }
0x82: {  	_ =	shalt  }
0x83: {  	_ =	shalt  }
0x84: {  	_ =	shalt  }
0x85: {  	_ =	shalt  }
0x86: {  	_ =	shalt  }
0x87: {  	_ =	shalt  }
.Lfunc_end0:
.L_simem_size_0:
called_computation_lowered:
.L_overlay_start_0:
0x88: {  	s2 =	sld [smem:$0x3FD9]  }
0x89: {  	s3 =	sld [smem:$0x3FFE];
	_ =	sdelay $0x1  }
0x8a: {  	s1 =	srdreg.scid  }
0x8b: {  	s0 =	sand.u32 $0x1, s1  }
0x8c: {  	s14 =	sshll.u32 s0, $0xA;
	s2 =	sadd.s32 s3, s2  }
0x8d: {  	s2 =	sadd.s32 s2, s14  }
0x8e: {  	[smem:$0x3FC6] =	sst s2  }
0x8f: {  	_ = 	snop  }
0x90: {  	s2 =	sld [smem:$0x3FD0];
	_ =	sdelay $0x1  }
0x91: {  	s15 =	sld [smem:$0x3FC9]  }
0x92: {  	s5 =	simm.s32 $0xA;
	s6 =	simm.s32 $0x10;
	s4 =	sld [smem:$0x3FC8]  }
0x93: {  	[smem:s6], [sflag:s5] =	dma.local [hbm:s2], $0x1  }
0x94: {  	_ =	swait.eq [sflag:s5], $0x1  }
0x95: {  	[sflag:s5] =	ssyncset.done $0x0  }
0x96: {  	[sflag:s5] =	ssyncadd.s32 $0xFFFFFFFF  }
0x97: {  	s16 =	sld [smem:$0x11];
	(tm) =	ssettm $0x1  }
0x98: {  	s17 =	sld [smem:$0x3FFB];
	_ =	sdelay $0x3  }
0x99: {  	_ =	strace s17  }
0x9a: {  	s5 =	sld [smem:$0x3FFC];
	_ =	sdelay $0x3  }
0x9b: {  	_ =	strace s5  }
0x9c: {  	s5 =	sld [smem:$0x3FFD];
	_ =	sdelay $0x3  }
0x9d: {  	_ =	strace s5  }
0x9e: {  	_ =	strace $0x8FFFFFFF  }
0x9f: {  	s18 =	sld [smem:$0x3FDB];
	_ =	sdelay $0x1  }
0xa0: {  	s19 =	simm.s32 $_scs_section_size  }
0xa1: {  	s7 =	simm.s32 $_size__tile_overlayer_lowered;
	s8 =	simm.s32 $_tile_overlayer_lowered  }
0xa2: {  	s22 =	simm.s32 $0x1BFF;
	s21 =	sshll.u32 s8, $0x1;
	s5 =	sadd.s32 s19, s18  }
0xa3: {  	s9 =	simm.s32 $0x0;
	s20 =	sshll.u32 s7, $0x1;
	s7 =	sadd.s32 s21, s5  }
0xa4: {  	[timem:s9], [sflag:s22] =	dma.local [hbm:s7], s20  }
0xa5: {  	_ =	swait.ge [sflag:s22], s20  }
0xa6: {  	s6 =	ssub.s32 $0x0, s20;
	[sflag:s22] =	ssyncset.done $0x0  }
0xa7: {  	[sflag:s22] =	ssyncadd.s32 s6;
	_ =	sdelay $0x1  }
0xa8: {  	s23 =	simm.s32 $0x1B8B  }
0xa9: {  	_ =	swait.ge [sflag:s23], $0x1  }
0xaa: {  	[sflag:s23] =	ssyncset.done $0x0  }
0xab: {  	s25 =	simm.s32 $0x1B8E;
	s24 =	sld [smem:$0x3FFE];
	[sflag:s23] =	ssyncadd.s32 $0xFFFFFFFF  }
0xac: {  	s26 =	simm.s32 $execute0_lowered;
	[smem:$0x3FD2] =	sst s25  }
0xad: {  	s7 =	sshll.u32 s26, $0x1;
	_ =	strace $0x80000046;
	[dreg:$0x1] =	wrdreg $0xFFFFFFFF  }
0xae: {  	s28 =	simm.s32 $_size_execute0_lowered;
	s5 =	sadd.s32 s5, s7;
	[dreg:$0x0] =	wrdreg $0x0  }
0xaf: {  	s7 =	sshll.u32 s28, $0x1;
	[dreg:$0x2] =	wrdreg s5  }
0xb0: {  	[dreg:$0x3] =	wrdreg s7  }
0xb1: {  	[dreg:$0x4] =	wrdreg $0xC0  }
0xb2: {  	_ =	task [dreg:s9], $0x5FFFF  }
0xb3: {  	[dreg:$0x1] =	wrdreg $0xFFFFFFFF  }
0xb4: {  	[dreg:$0x0] =	wrdreg $0x60  }
0xb5: {  	[dreg:$0x2] =	wrdreg s15  }
0xb6: {  	[dreg:$0x3] =	wrdreg s4  }
0xb7: {  	[dreg:$0x4] =	wrdreg s24  }
0xb8: {  	[dreg:$0x5] =	wrdreg s16  }
0xb9: {  	[dreg:$0x6] =	wrdreg $0x9  }
0xba: {  	_ =	task.clear_ibuf [dreg:s9], $0x7FFFF;
	_ =	strace $0x90000046  }
0xbb: {  	s29 =	simm.s32 $0x9;
	_ =	strace $0x80000048  }
0xbc: {  	_ =	swait.ge [sflag:s29], $0x1  }
0xbd: {  	[sflag:s29] =	ssyncadd.s32 $0xFFFFFFFF  }
0xbe: {  	_ =	strace $0x90000048  }
0xbf: {  	_ =	sfence  }
0xc0: {  	s30 =	sld [smem:$0x0];
	_ =	sdelay $0x2  }
0xc1: {  	s31 =	sshll.u32 s1, $0xD;
	s1 =	sshrl.u32 s1, $0x2  }
0xc2: {  	s3 =	sand.u32 $0x4000, s31;
	s1 =	sadd.s32 s1, s30  }
0xc3: {  	s0 =	sor.u32 s3, s0;
	s1 =	sshll.u32 s1, $0x11  }
0xc4: {  	s0 =	sor.u32 s1, s0  }
0xc5: {  	s0 =	sadd.s32 $0x8F2B, s0  }
0xc6: {  	[sflag:s0] =	ssyncadd.remote.s32 $0x1  }
0xc7: {  	_ =	sfence.sel $0xFFFF  }
0xc8: {  	[dreg:$0x0] =	wrdreg $0xFFFFFFFF;
	(pc) =	sbr.abs _section_cstart, $3  }
0xc9: {  	[dreg:$0x1] =	wrdreg $0xFFFFFFFF  }
0xca: {  	_ =	task.clear_ibuf [dreg:s9], $0x2FFFF;
	_ =	strace $0x9FFFFFFF  }
0xcb: {  	(tm) =	ssettm $0x7FFFFFFF  }
tec
execute0_lowered:
.L_overlay_start_1:
0x0: {  	(tag) =	ssettag $0x1  }
0x1: {  	s6 =	rddreg [dreg:$0x0]  }
0x2: {  	s7 =	rddreg [dreg:$0x1]  }
0x3: {  	s8 =	rddreg [dreg:$0x2];
	s1 =	srdreg.scid  }
0x4: {  	s0 =	stileid.u32;
	s9 =	rddreg [dreg:$0x3];
	s16 =	simm.s32 $0x16E00  }
0x5: {  	s17 =	simm.s32 $0x0;
	s10 =	sand.u32 $0x1, s1;
	s2 =	sshll.u32 s0, $0x1  }
0x6: {  	s1 =	rddreg [dreg:$0x4];
	s15 =	smul.u32 $0xF400, s0;
	s11 =	sor.u32 s10, s2  }
0x7: {  	s2 =	simm.s32 $0x0;
	s3 =	ssub.s32 $0x2, s10;
	s30 =	smul.u32 $0x7A00, s10  }
0x8: {  	s5 =	smul.u32 $0x7A00, s11;
	[smem:$0x7FF] =	sst s2;
	s4 =	sshrl.u32 s3, $0x1  }
0x9: {  	s12 =	smul.u32 $0x3D00, s11;
	s31 =	sshll.u32 s11, $0x4;
	_ =	strace $0x80000047  }
0xa: {  	s13 =	ssub.s32 s3, s4;
	s9 =	sadd.s32 s9, s31;
	s11 =	sadd.s32 s30, s15  }
0xb: {  	s15 =	simm.s32 $0x13100;
	s14 =	sshrl.u32 s5, $0x3;
	s3 =	sadd.s32 s6, s12  }
0xc: {  	s28 =	sadd.s32 $0x3D00, s5;
	s10 =	smax.u32 s13, $0x1;
	s13 =	simm.s32 $0x1  }
0xd: {  	s4 =	sadd.s32 s7, s14;
	s5 =	sadd.s32 s8, s14;
	s29 =	sshrl.u32 s28, $0x1  }
0xe: {  	v0 =	vlaneseq.u32;
	s12 =	sshrl.u32 s28, $0x3;
	s14 =	simm.s32 $0xF400;
	s6 =	sadd.s32 s6, s29  }
0xf: {  	v1 =	vimm.s32 $0x0;
	v0 =	vadd.s32 $0x1, v0;
	s7 =	sadd.s32 s7, s12;
	s8 =	sadd.s32 s8, s12;
	s12 =	sadd.s32 $0x3D00, s11  }
.LBB2_1:
0x10: {  	s18 =	sadd.s32 $0x0, s11  }
0x11: {  	v2 =	vadd.s32 s18, v0  }
0x12: {  	v3 =	vshrl.u32 v2, $0x13;
	v4 =	vshll.u32 v2, $0xD  }
0x13: {  	v3 =	vor.u32 v3, v4  }
0x14: {  	v3 =	vxor.u32 v2, v3  }
0x15: {  	v4 =	vshrl.u32 v3, $0x11;
	v5 =	vshll.u32 v3, $0xF  }
0x16: {  	v2 =	vadd.s32 v2, v3;
	v3 =	vor.u32 v4, v5  }
0x17: {  	v3 =	vxor.u32 v2, v3  }
0x18: {  	v4 =	vshrl.u32 v3, $0x6;
	v5 =	vshll.u32 v3, $0x1A  }
0x19: {  	v2 =	vadd.s32 v2, v3;
	v3 =	vor.u32 v4, v5  }
0x1a: {  	v3 =	vxor.u32 v2, v3  }
0x1b: {  	v4 =	vshrl.u32 v3, $0x1A;
	v5 =	vshll.u32 v3, $0x6  }
0x1c: {  	v2 =	vadd.s32 v2, v3;
	v3 =	vor.u32 v4, v5  }
0x1d: {  	v3 =	vxor.u32 v2, v3  }
0x1e: {  	v3 =	vadd.s32 $0x1BD11BDC, v3  }
0x1f: {  	v2 =	vadd.s32 v3, v2;
	v4 =	vshrl.u32 v3, $0xF;
	v3 =	vshll.u32 v3, $0x11  }
0x20: {  	v2 =	vadd.s32 $0x1, v2;
	v3 =	vor.u32 v4, v3  }
0x21: {  	v3 =	vxor.u32 v2, v3  }
0x22: {  	v4 =	vshrl.u32 v3, $0x3;
	v5 =	vshll.u32 v3, $0x1D  }
0x23: {  	v2 =	vadd.s32 v2, v3;
	v3 =	vor.u32 v4, v5  }
0x24: {  	v3 =	vxor.u32 v2, v3  }
0x25: {  	v4 =	vshrl.u32 v3, $0x10;
	v5 =	vshll.u32 v3, $0x10  }
0x26: {  	v2 =	vadd.s32 v2, v3;
	v3 =	vor.u32 v4, v5  }
0x27: {  	v3 =	vxor.u32 v2, v3  }
0x28: {  	v4 =	vshrl.u32 v3, $0x8;
	v5 =	vshll.u32 v3, $0x18  }
0x29: {  	v2 =	vadd.s32 v2, v3;
	v3 =	vor.u32 v4, v5  }
0x2a: {  	v3 =	vxor.u32 v2, v3  }
0x2b: {  	v3 =	vadd.s32 $0x2, v3  }
0x2c: {  	v2 =	vadd.s32 v3, v2;
	v4 =	vshrl.u32 v3, $0x13;
	v3 =	vshll.u32 v3, $0xD  }
0x2d: {  	v2 =	vadd.s32 $0x1BD11BDB, v2;
	v3 =	vor.u32 v4, v3  }
0x2e: {  	v3 =	vxor.u32 v2, v3  }
0x2f: {  	v4 =	vshrl.u32 v3, $0x11;
	v5 =	vshll.u32 v3, $0xF  }
0x30: {  	v2 =	vadd.s32 v2, v3;
	v3 =	vor.u32 v4, v5  }
0x31: {  	v3 =	vxor.u32 v2, v3  }
0x32: {  	v4 =	vshrl.u32 v3, $0x6;
	v5 =	vshll.u32 v3, $0x1A  }
0x33: {  	v2 =	vadd.s32 v2, v3;
	v3 =	vor.u32 v4, v5  }
0x34: {  	v3 =	vxor.u32 v2, v3  }
0x35: {  	v4 =	vshrl.u32 v3, $0x1A;
	v5 =	vshll.u32 v3, $0x6  }
0x36: {  	v2 =	vadd.s32 v2, v3;
	v3 =	vor.u32 v4, v5  }
0x37: {  	v3 =	vxor.u32 v2, v3  }
0x38: {  	v3 =	vadd.s32 $0x4, v3  }
0x39: {  	v4 =	vshrl.u32 v3, $0xF;
	v5 =	vshll.u32 v3, $0x11  }
0x3a: {  	v2 =	vadd.s32 v2, v3;
	v3 =	vor.u32 v4, v5  }
0x3b: {  	v3 =	vxor.u32 v2, v3  }
0x3c: {  	s23 =	sadd.s32 $0x10, s11;
	v4 =	vshrl.u32 v3, $0x3;
	v5 =	vshll.u32 v3, $0x1D  }
0x3d: {  	v6 =	vadd.s32 s23, v0;
	v2 =	vadd.s32 v2, v3;
	v3 =	vor.u32 v4, v5  }
0x3e: {  	v4 =	vshrl.u32 v6, $0x13;
	v5 =	vshll.u32 v6, $0xD;
	v3 =	vxor.u32 v2, v3  }
0x3f: {  	v4 =	vor.u32 v4, v5;
	v5 =	vshrl.u32 v3, $0x10;
	v7 =	vshll.u32 v3, $0x10  }
0x40: {  	v4 =	vxor.u32 v6, v4;
	v2 =	vadd.s32 v2, v3;
	v3 =	vor.u32 v5, v7  }
0x41: {  	v5 =	vadd.s32 v6, v4;
	v6 =	vshrl.u32 v4, $0x11;
	v3 =	vxor.u32 v2, v3  }
0x42: {  	v4 =	vshll.u32 v4, $0xF;
	v7 =	vshrl.u32 v3, $0x8;
	v8 =	vshll.u32 v3, $0x18  }
0x43: {  	v4 =	vor.u32 v6, v4;
	v2 =	vadd.s32 v2, v3;
	v3 =	vor.u32 v7, v8  }
0x44: {  	v4 =	vxor.u32 v5, v4;
	v3 =	vxor.u32 v2, v3  }
0x45: {  	v6 =	vshrl.u32 v4, $0x6;
	v3 =	vadd.s32 $0x1BD11BDF, v3  }
0x46: {  	[tilespmem:s2], [sflag:$0x1] =	stream.linear.gather [hbm4b:s3+s2], $0xF400, $0x38;
	v2 =	vadd.s32 v3, v2;
	v7 =	vshrl.u32 v3, $0x13;
	v3 =	vshll.u32 v3, $0xD;
	[tilespmem:$0x16E80] =	vst v63  }
0x47: {  	_ =	swait.ge [sflag:s13], $0xF400;
	v8 =	vshll.u32 v4, $0x1A;
	v2 =	vadd.s32 $0x1, v2;
	v3 =	vor.u32 v7, v3  }
0x48: {  	[sflag:s13] =	ssyncset.done $0x0;
	v4 =	vadd.s32 v5, v4;
	v5 =	vor.u32 v6, v8;
	v3 =	vxor.u32 v2, v3  }
0x49: {  	[sflag:s13] =	ssyncadd.s32 $0xFFFF0C00;
	v5 =	vxor.u32 v4, v5;
	v6 =	vshrl.u32 v3, $0x11;
	v7 =	vshll.u32 v3, $0xF  }
0x4a: {  	[tilespmem:s14], [sflag:$0x1] =	stream.linear.gather [hbm4b:s4+s2], $0x3D00, $0x38;
	v8 =	vshrl.u32 v5, $0x1A;
	v2 =	vadd.s32 v2, v3;
	v3 =	vor.u32 v6, v7;
	[tilespmem:$0x16E80] =	vst v63  }
0x4b: {  	_ =	swait.ge [sflag:s13], $0x3D00;
	v4 =	vadd.s32 v4, v5;
	v6 =	vshll.u32 v5, $0x6;
	v3 =	vxor.u32 v2, v3  }
0x4c: {  	s24 =	sand.u32 $0x70, s2;
	s19 =	sand.u32 $0xFE00, s2;
	[sflag:s13] =	ssyncset.done $0x0;
	v5 =	vor.u32 v8, v6;
	v6 =	vshrl.u32 v3, $0x6;
	v7 =	vshll.u32 v3, $0x1A  }
0x4d: {  	s18 =	sor.u32 s24, s19;
	[sflag:s13] =	ssyncadd.s32 $0xFFFFC300;
	v5 =	vxor.u32 v4, v5;
	v2 =	vadd.s32 v2, v3;
	v3 =	vor.u32 v6, v7  }
0x4e: {  	v9 =	vld [tilespmem:s18+$0x0];
	v5 =	vadd.s32 $0x1BD11BDC, v5;
	v3 =	vxor.u32 v2, v3  }
0x4f: {  	v6 =	vld [tilespmem:s18+$0x80];
	v4 =	vadd.s32 v5, v4;
	v7 =	vshrl.u32 v5, $0xF;
	v5 =	vshll.u32 v5, $0x11  }
0x50: {  	v8 =	vshrl.u32 v3, $0x1A;
	v10 =	vshll.u32 v3, $0x6;
	v3 =	vadd.s32 v2, v3  }
0x51: {  	v4 =	vadd.s32 $0x1, v4;
	v5 =	vor.u32 v7, v5;
	v7 =	vld [tilespmem:s18+$0x100];
	v8 =	vor.u32 v8, v10  }
0x52: {  	v5 =	vxor.u32 v4, v5;
	v8 =	vxor.u32 v3, v8  }
0x53: {  	v11 =	vld [tilespmem:s18+$0x180];
	v3 =	vadd.s32 $0x1BD11BDB, v3;
	v10 =	vshrl.u32 v5, $0x3;
	v8 =	vadd.s32 $0x5, v8  }
0x54: {  	v12 =	vadd.f32 v6, v9;
	v3 =	vxor.u32 v3, v8;
	v8 =	vshll.u32 v5, $0x1D  }
0x55: {  	v4 =	vadd.s32 v4, v5;
	v3 =	vshrl.u32 v3, $0x9;
	v5 =	vor.u32 v10, v8  }
0x56: {  	v8 =	vadd.f32 v7, v12;
	v3 =	vor.u32 $0x3F800000, v3;
	v5 =	vxor.u32 v4, v5  }
0x57: {  	v3 =	vadd.f32 $-1.000000000e+00, v3;
	v10 =	vshrl.u32 v5, $0x10;
	v13 =	vshll.u32 v5, $0x10  }
0x58: {  	v4 =	vadd.s32 v4, v5;
	v5 =	vadd.f32 v11, v8;
	v10 =	vor.u32 v10, v13  }
0x59: {  	vm0 =	vgt.f32 v3, v9;
	vm1 =	vgt.f32 v3, v12;
	v10 =	vxor.u32 v4, v10  }
0x5a: {  	vm2 =	vgt.f32 v3, v8;
	v8 =	vshrl.u32 v10, $0x8;
	v12 =	vshll.u32 v10, $0x18  }
0x5b: {  	vm3 =	vgt.f32 v3, v5;
	v4 =	vadd.s32 v4, v10;
	v8 =	vor.u32 v8, v12  }
0x5c: {  	v13 =	vsel vm0, $0x1, v1;
	v10 =	vsel vm1, $0x1, v1;
	v3 =	vxor.u32 v4, v8  }
0x5d: {  	v6 =	vsel vm0, v6, v9;
	v5 =	vadd.s32 v13, v10;
	v3 =	vadd.s32 $0x2, v3  }
0x5e: {  	v4 =	vadd.s32 v3, v4;
	v10 =	vshrl.u32 v3, $0x13;
	v3 =	vshll.u32 v3, $0xD  }
0x5f: {  	v6 =	vsel vm1, v7, v6;
	v4 =	vadd.s32 $0x1BD11BDB, v4;
	v3 =	vor.u32 v10, v3  }
0x60: {  	v8 =	vsel vm2, $0x1, v1;
	v6 =	vsel vm2, v11, v6;
	v3 =	vxor.u32 v4, v3  }
0x61: {  	v5 =	vadd.s32 v8, v5;
	v7 =	vshrl.u32 v3, $0x11;
	v9 =	vshll.u32 v3, $0xF  }
0x62: {  	v8 =	vsel vm3, $0x1, v1;
	v3 =	vadd.s32 v4, v3;
	v4 =	vor.u32 v7, v9  }
0x63: {  	v5 =	vadd.s32 v8, v5;
	v7 =	vshrl.u32 v6, $0x17;
	v4 =	vxor.u32 v3, v4  }
0x64: {  	v6 =	vand.u32 $0x7FFFFF, v6;
	v8 =	vshrl.u32 v4, $0x6;
	v9 =	vshll.u32 v4, $0x1A  }
0x65: {  	v6 =	vor.u32 $0x3F800000, v6;
	v3 =	vadd.s32 v3, v4;
	v4 =	vor.u32 v8, v9  }
0x66: {  	v7 =	vand.u32 $0xFF, v7;
	vm10 =	vgt.f32 v6, $1.414213540e+00;
	v4 =	vxor.u32 v3, v4  }
0x67: {  	v8 =	vmul.f32 $5.000000000e-01, v6;
	v9 =	vshrl.u32 v4, $0x1A;
	v10 =	vshll.u32 v4, $0x6  }
0x68: {  	v7 =	vadd.s32 $0xFFFFFF81, v7;
	v3 =	vadd.s32 v3, v4;
	v4 =	vor.u32 v9, v10  }
0x69: {  	v7 =	vcvt.s32.f32 v7;
	v6 =	vsel vm10, v8, v6;
	v4 =	vxor.u32 v3, v4  }
0x6a: {  	v8 =	vadd.f32 $1.000000000e+00, v6;
	v6 =	vadd.f32 $-1.000000000e+00, v6;
	v4 =	vadd.s32 $0x4, v4  }
0x6b: {  	v9 =	vadd.f32 $1.000000000e+00, v7;
	v10 =	vshrl.u32 v4, $0xF;
	v11 =	vshll.u32 v4, $0x11  }
0x6c: {  	s25 =	sadd.s32 $0x20, s11;
	(erf) = vrcp.f32 v8;
	v3 =	vadd.s32 v3, v4;
	v4 =	vor.u32 v10, v11  }
0x6d: {  	v7 =	vsel vm10, v9, v7;
	v8 =	vadd.s32 s25, v0;
	v4 =	vxor.u32 v3, v4  }
0x6e: {  	v9 =	vshrl.u32 v8, $0x13;
	v10 =	vshrl.u32 v4, $0x3;
	v11 =	vshll.u32 v4, $0x1D  }
0x6f: {  	v12 =	vshll.u32 v8, $0xD;
	v4 =	vadd.s32 v3, v4;
	v10 =	vor.u32 v10, v11  }
0x70: {  	v3 =	vmul.f32 $6.931471820e-01, v7;
	v7 =	vor.u32 v9, v12;
	v9 =	vxor.u32 v4, v10  }
0x71: {  	v7 =	vxor.u32 v8, v7;
	v10 =	vshrl.u32 v9, $0x10;
	v11 =	vshll.u32 v9, $0x10  }
0x72: {  	v8 =	vadd.s32 v8, v7;
	v4 =	vadd.s32 v4, v9;
	v9 =	vor.u32 v10, v11  }
0x73: {  	v10 =	vshrl.u32 v7, $0x11;
	v7 =	vshll.u32 v7, $0xF;
	v9 =	vxor.u32 v4, v9  }
0x74: {  	v7 =	vor.u32 v10, v7;
	v10 =	vshrl.u32 v9, $0x8;
	v11 =	vshll.u32 v9, $0x18  }
0x75: {  	v12 =	vpop (erf);
	v7 =	vxor.u32 v8, v7;
	v9 =	vadd.s32 v4, v9;
	v10 =	vor.u32 v10, v11  }
0x76: {  	v4 =	vmul.f32 v12, v6;
	v6 =	vadd.s32 v8, v7;
	v8 =	vxor.u32 v9, v10  }
0x77: {  	v10 =	vshrl.u32 v7, $0x6;
	v7 =	vshll.u32 v7, $0x1A;
	v8 =	vadd.s32 $0x1BD11BDF, v8  }
0x78: {  	v7 =	vor.u32 v10, v7;
	v9 =	vadd.s32 v8, v9;
	v11 =	vshrl.u32 v8, $0x13  }
0x79: {  	v8 =	vshll.u32 v8, $0xD;
	v7 =	vxor.u32 v6, v7;
	v9 =	vadd.s32 $0x1, v9  }
0x7a: {  	v8 =	vor.u32 v11, v8;
	v11 =	vshrl.u32 v7, $0x1A;
	v14 =	vshll.u32 v7, $0x6  }
0x7b: {  	v6 =	vadd.s32 v6, v7;
	v8 =	vxor.u32 v9, v8;
	v7 =	vor.u32 v11, v14  }
0x7c: {  	s28 =	simm.s32 $0x0;
	v12 =	vshrl.u32 v8, $0x11;
	v13 =	vshll.u32 v8, $0xF;
	v7 =	vxor.u32 v6, v7  }
0x7d: {  	[tilespmem:s28+$0x13100] =	vst v5;
	v8 =	vadd.s32 v9, v8;
	v9 =	vor.u32 v12, v13;
	v5 =	vadd.s32 $0x1BD11BDC, v7  }
0x7e: {  	s26 =	simm.s32 $0x10;
	s20 =	simm.s32 $0x40;
	v10 =	vmul.f32 v4, v4;
	v9 =	vxor.u32 v8, v9;
	v6 =	vadd.s32 v5, v6  }
0x7f: {  	s19 =	sand.u32 $0x70, s26;
	s20 =	sand.u32 $0xFE00, s20;
	v11 =	vshrl.u32 v9, $0x6;
	v12 =	vshll.u32 v9, $0x1A;
	v7 =	vadd.s32 v8, v9  }
0x80: {  	s19 =	sor.u32 s19, s20;
	v9 =	vmul.f32 $2.857142980e-01, v10;
	v6 =	vadd.s32 $0x1, v6;
	v8 =	vor.u32 v11, v12  }
0x81: {  	v15 =	vld [tilespmem:s19+$0x0];
	v12 =	vshrl.u32 v5, $0xF;
	v5 =	vshll.u32 v5, $0x11;
	v8 =	vxor.u32 v7, v8  }
0x82: {  	v11 =	vld [tilespmem:s19+$0x80];
	v5 =	vor.u32 v12, v5;
	v9 =	vadd.f32 $4.000000060e-01, v9;
	v13 =	vshrl.u32 v8, $0x1A  }
0x83: {  	v14 =	vshll.u32 v8, $0x6;
	v7 =	vadd.s32 v7, v8;
	v5 =	vxor.u32 v6, v5  }
0x84: {  	v8 =	vor.u32 v13, v14;
	v13 =	vshrl.u32 v5, $0x3;
	v14 =	vshll.u32 v5, $0x1D  }
0x85: {  	v12 =	vld [tilespmem:s19+$0x100];
	v5 =	vadd.s32 v6, v5;
	v8 =	vxor.u32 v7, v8;
	v6 =	vor.u32 v13, v14  }
0x86: {  	v7 =	vadd.s32 $0x1BD11BDB, v7;
	v8 =	vadd.s32 $0x5, v8;
	v6 =	vxor.u32 v5, v6  }
0x87: {  	v16 =	vadd.f32 v11, v15;
	v7 =	vxor.u32 v7, v8;
	v8 =	vld [tilespmem:s19+$0x180];
	v5 =	vadd.s32 v5, v6  }
0x88: {  	v14 =	vshrl.u32 v6, $0x10;
	v6 =	vshll.u32 v6, $0x10;
	v7 =	vshrl.u32 v7, $0x9  }
0x89: {  	v9 =	vmul.f32 v9, v10;
	v6 =	vor.u32 v14, v6;
	v7 =	vor.u32 $0x3F800000, v7  }
0x8a: {  	v13 =	vadd.f32 v12, v16;
	v6 =	vxor.u32 v5, v6;
	v7 =	vadd.f32 $-1.000000000e+00, v7  }
0x8b: {  	v9 =	vadd.f32 $6.666666860e-01, v9;
	v14 =	vshrl.u32 v6, $0x8;
	v5 =	vadd.s32 v5, v6  }
0x8c: {  	v17 =	vadd.f32 v8, v13;
	vm11 =	vgt.f32 v7, v15;
	vm12 =	vgt.f32 v7, v16  }
0x8d: {  	vm13 =	vgt.f32 v7, v13;
	v13 =	vsel vm11, $0x1, v1;
	v16 =	vsel vm12, $0x1, v1  }
0x8e: {  	v11 =	vsel vm11, v11, v15;
	v15 =	vshll.u32 v6, $0x18;
	vm14 =	vgt.f32 v7, v17  }
0x8f: {  	v7 =	vadd.s32 v13, v16;
	v11 =	vsel vm12, v12, v11;
	v6 =	vor.u32 v14, v15  }
0x90: {  	v13 =	vsel vm13, $0x1, v1;
	v8 =	vsel vm13, v8, v11;
	v6 =	vxor.u32 v5, v6  }
0x91: {  	v7 =	vadd.s32 v13, v7;
	v12 =	vshrl.u32 v8, $0x17;
	v6 =	vadd.s32 $0x2, v6  }
0x92: {  	v5 =	vadd.s32 v6, v5;
	v13 =	vshrl.u32 v6, $0x13;
	v6 =	vshll.u32 v6, $0xD  }
0x93: {  	v8 =	vand.u32 $0x7FFFFF, v8;
	v5 =	vadd.s32 $0x1BD11BDB, v5;
	v6 =	vor.u32 v13, v6  }
0x94: {  	v9 =	vmul.f32 v9, v10;
	v8 =	vor.u32 $0x3F800000, v8;
	v6 =	vxor.u32 v5, v6  }
0x95: {  	v13 =	vmul.f32 $5.000000000e-01, v8;
	v14 =	vshrl.u32 v6, $0x11;
	v15 =	vshll.u32 v6, $0xF  }
0x96: {  	vm15 =	vgt.f32 v8, $1.414213540e+00;
	v5 =	vadd.s32 v5, v6;
	v6 =	vor.u32 v14, v15  }
0x97: {  	v12 =	vand.u32 $0xFF, v12;
	v8 =	vsel vm15, v13, v8;
	v6 =	vxor.u32 v5, v6  }
0x98: {  	v13 =	vadd.f32 $1.000000000e+00, v8;
	v14 =	vshrl.u32 v6, $0x6;
	v15 =	vshll.u32 v6, $0x1A  }
0x99: {  	v12 =	vadd.s32 $0xFFFFFF81, v12;
	v5 =	vadd.s32 v5, v6;
	v6 =	vor.u32 v14, v15  }
0x9a: {  	v12 =	vcvt.s32.f32 v12;
	(erf) = vrcp.f32 v13;
	v6 =	vxor.u32 v5, v6  }
0x9b: {  	v11 =	vsel vm14, $0x1, v1;
	v10 =	vshrl.u32 v6, $0x1A;
	v13 =	vshll.u32 v6, $0x6  }
0x9c: {  	v14 =	vadd.f32 $1.000000000e+00, v12;
	v5 =	vadd.s32 v5, v6;
	v6 =	vor.u32 v10, v13  }
0x9d: {  	v10 =	vadd.s32 v11, v7;
	v7 =	vadd.f32 $2.000000000e+00, v9;
	v6 =	vxor.u32 v5, v6  }
0x9e: {  	v8 =	vadd.f32 $-1.000000000e+00, v8;
	v9 =	vsel vm15, v14, v12;
	v6 =	vadd.s32 $0x4, v6  }
0x9f: {  	v7 =	vmul.f32 v7, v4;
	v11 =	vshrl.u32 v6, $0xF;
	v12 =	vshll.u32 v6, $0x11  }
0xa0: {  	s29 =	sadd.s32 $0x30, s11;
	v4 =	vmul.f32 $6.931471820e-01, v9;
	v5 =	vadd.s32 v5, v6;
	v9 =	vor.u32 v11, v12  }
0xa1: {  	v6 =	vadd.f32 v7, v3;
	v3 =	vadd.s32 s29, v0;
	v7 =	vxor.u32 v5, v9  }
0xa2: {  	v9 =	vshrl.u32 v3, $0x13;
	v11 =	vshrl.u32 v7, $0x3;
	v12 =	vshll.u32 v7, $0x1D  }
0xa3: {  	v13 =	vpop (erf);
	v14 =	vshll.u32 v3, $0xD;
	v7 =	vadd.s32 v5, v7;
	v5 =	vor.u32 v11, v12  }
0xa4: {  	v9 =	vor.u32 v9, v14;
	v11 =	vxor.u32 v7, v5;
	v5 =	vmul.f32 v13, v8  }
0xa5: {  	v8 =	vxor.u32 v3, v9;
	v9 =	vshrl.u32 v11, $0x10;
	v12 =	vshll.u32 v11, $0x10  }
0xa6: {  	v3 =	vadd.s32 v3, v8;
	v7 =	vadd.s32 v7, v11;
	v9 =	vor.u32 v9, v12  }
0xa7: {  	v11 =	vshrl.u32 v8, $0x11;
	v8 =	vshll.u32 v8, $0xF;
	v9 =	vxor.u32 v7, v9  }
0xa8: {  	v8 =	vor.u32 v11, v8;
	v11 =	vshrl.u32 v9, $0x8;
	v12 =	vshll.u32 v9, $0x18  }
0xa9: {  	v13 =	vxor.u32 v3, v8;
	v7 =	vadd.s32 v7, v9;
	v8 =	vor.u32 v11, v12  }
0xaa: {  	v3 =	vadd.s32 v3, v13;
	v11 =	vshrl.u32 v13, $0x6;
	v9 =	vxor.u32 v7, v8  }
0xab: {  	v12 =	vshll.u32 v13, $0x1A;
	v8 =	vmul.f32 v5, v5;
	v9 =	vadd.s32 $0x1BD11BDF, v9  }
0xac: {  	v7 =	vadd.s32 v9, v7;
	v13 =	vshrl.u32 v9, $0x13;
	v9 =	vshll.u32 v9, $0xD  }
0xad: {  	v11 =	vor.u32 v11, v12;
	v7 =	vadd.s32 $0x1, v7;
	v9 =	vor.u32 v13, v9  }
0xae: {  	v11 =	vxor.u32 v3, v11;
	v12 =	vmul.f32 $2.857142980e-01, v8;
	v9 =	vxor.u32 v7, v9  }
0xaf: {  	v16 =	vshll.u32 v11, $0x6;
	v14 =	vshrl.u32 v9, $0x11;
	v15 =	vshll.u32 v9, $0xF  }
0xb0: {  	v13 =	vshrl.u32 v11, $0x1A;
	v9 =	vadd.s32 v7, v9;
	v7 =	vor.u32 v14, v15  }
0xb1: {  	v3 =	vadd.s32 v3, v11;
	v11 =	vor.u32 v13, v16;
	v13 =	vxor.u32 v9, v7  }
0xb2: {  	s30 =	simm.s32 $0x20;
	s31 =	simm.s32 $0x10;
	s19 =	simm.s32 $0x80;
	v11 =	vxor.u32 v3, v11;
	v14 =	vshrl.u32 v13, $0x6;
	v15 =	vshll.u32 v13, $0x1A  }
0xb3: {  	s20 =	sand.u32 $0x70, s30;
	s21 =	sand.u32 $0xFE00, s19;
	v7 =	vld [tilespmem:s28+$0xF400];
	[tilespmem:s31+$0x13100] =	vst v10;
	v10 =	vadd.s32 $0x1BD11BDC, v11;
	v13 =	vadd.s32 v9, v13;
	v9 =	vor.u32 v14, v15  }
0xb4: {  	s21 =	sor.u32 s20, s21;
	v16 =	vadd.f32 $4.000000060e-01, v12;
	v3 =	vadd.s32 v10, v3;
	v14 =	vxor.u32 v13, v9  }
0xb5: {  	v12 =	vshrl.u32 v10, $0xF;
	v11 =	vld [tilespmem:s21+$0x0];
	v15 =	vshrl.u32 v14, $0x1A;
	v17 =	vshll.u32 v14, $0x6  }
0xb6: {  	v10 =	vshll.u32 v10, $0x11;
	v9 =	vld [tilespmem:s21+$0x80];
	v13 =	vadd.s32 v13, v14;
	v15 =	vor.u32 v15, v17  }
0xb7: {  	v10 =	vor.u32 v12, v10;
	v14 =	vadd.s32 $0x1, v3;
	v12 =	vxor.u32 v13, v15  }
0xb8: {  	v15 =	vxor.u32 v14, v10;
	v10 =	vadd.s32 $0x1BD11BDB, v13;
	v13 =	vadd.s32 $0x5, v12;
	v12 =	vld [tilespmem:s21+$0x100]  }
0xb9: {  	v2 =	vimm.f32 $0.0e+00  }
0xba: {  	v17 =	vshrl.u32 v15, $0x3;
	v18 =	vshll.u32 v15, $0x1D;
	v19 =	vxor.u32 v10, v13;
	v13 =	vld [tilespmem:s21+$0x180]  }
0xbb: {  	s18 =	simm.s32 $0x40;
	s20 =	simm.s32 $0x30;
	v3 =	vld [tilespmem:s31+$0xF400];
	v10 =	vmul.f32 v16, v8;
	s21 =	simm.s32 $0x50;
	v16 =	vadd.f32 v9, v11;
	v19 =	vshrl.u32 v19, $0x9  }
.LBB2_2:
0xbc: {  	p0 =	sne.s32 s21, $0x3CF0;
	v14 =	vadd.s32 v14, v15;
	v15 =	vor.u32 v17, v18;
	v17 =	vor.u32 $0x3F800000, v19  }
0xbd: {  	v15 =	vxor.u32 v14, v15;
	v17 =	vadd.f32 $-1.000000000e+00, v17;
	v18 =	vadd.f32 v12, v16  }
0xbe: {  	v14 =	vadd.s32 v14, v15;
	v19 =	vshrl.u32 v15, $0x10;
	v15 =	vshll.u32 v15, $0x10  }
0xbf: {  	v20 =	vadd.f32 v13, v18;
	vm0 =	vgt.f32 v17, v11;
	vm1 =	vgt.f32 v17, v16  }
0xc0: {  	vm2 =	vgt.f32 v17, v18;
	v16 =	vsel vm0, $0x1, v1;
	v18 =	vsel vm1, $0x1, v1  }
0xc1: {  	vm3 =	vgt.f32 v17, v20;
	v16 =	vadd.s32 v16, v18;
	v17 =	vsel vm2, $0x1, v1  }
0xc2: {  	v15 =	vor.u32 v19, v15;
	v16 =	vadd.s32 v17, v16;
	v17 =	vsel vm3, $0x1, v1  }
0xc3: {  	s22 =	sshra.s32 s19, $0x2;
	v15 =	vxor.u32 v14, v15;
	v9 =	vsel vm0, v9, v11;
	v16 =	vadd.s32 v17, v16  }
0xc4: {  	v11 =	vshrl.u32 v15, $0x8;
	v9 =	vsel vm1, v12, v9;
	v17 =	vshll.u32 v15, $0x18;
	[tilespmem:s22+$0x13100] =	vst v16;
	v12 =	vld [tilespmem:s22+$0xF400]  }
0xc5: {  	v14 =	vadd.s32 v14, v15;
	v9 =	vsel vm2, v13, v9;
	v11 =	vor.u32 v11, v17  }
0xc6: {  	v13 =	vshrl.u32 v9, $0x17;
	v9 =	vand.u32 $0x7FFFFF, v9;
	v11 =	vxor.u32 v14, v11  }
0xc7: {  	v13 =	vand.u32 $0xFF, v13;
	v9 =	vor.u32 $0x3F800000, v9;
	v11 =	vadd.s32 $0x2, v11  }
0xc8: {  	v14 =	vadd.s32 v11, v14;
	v15 =	vshrl.u32 v11, $0x13;
	v11 =	vshll.u32 v11, $0xD  }
0xc9: {  	v14 =	vadd.s32 $0x1BD11BDB, v14;
	v11 =	vor.u32 v15, v11;
	v15 =	vmul.f32 $5.000000000e-01, v9  }
0xca: {  	v10 =	vadd.f32 $6.666666860e-01, v10;
	vm0 =	vgt.f32 v9, $1.414213540e+00;
	v11 =	vxor.u32 v14, v11  }
0xcb: {  	v16 =	vshrl.u32 v11, $0x11;
	v17 =	vshll.u32 v11, $0xF;
	v9 =	vsel vm0, v15, v9  }
0xcc: {  	v11 =	vadd.s32 v14, v11;
	v14 =	vor.u32 v16, v17;
	v15 =	vadd.f32 $1.000000000e+00, v9  }
0xcd: {  	v13 =	vadd.s32 $0xFFFFFF81, v13;
	v9 =	vadd.f32 $-1.000000000e+00, v9;
	v14 =	vxor.u32 v11, v14  }
0xce: {  	v16 =	vshrl.u32 v14, $0x6;
	v17 =	vshll.u32 v14, $0x1A;
	(erf) = vrcp.f32 v15  }
0xcf: {  	v13 =	vcvt.s32.f32 v13;
	v11 =	vadd.s32 v11, v14;
	v14 =	vor.u32 v16, v17  }
0xd0: {  	v6 =	vmul.f32 v6, v7;
	v7 =	vmovc v3;
	v8 =	vmul.f32 v10, v8;
	v14 =	vxor.u32 v11, v14  }
0xd1: {  	v3 =	vmovc v12;
	v16 =	vadd.f32 $1.000000000e+00, v13;
	v10 =	vshrl.u32 v14, $0x1A;
	v15 =	vshll.u32 v14, $0x6  }
0xd2: {  	v8 =	vadd.f32 $2.000000000e+00, v8;
	v11 =	vadd.s32 v11, v14;
	v10 =	vor.u32 v10, v15  }
0xd3: {  	v2 =	vadd.f32 v6, v2;
	v12 =	vsel vm0, v16, v13;
	v10 =	vxor.u32 v11, v10  }
0xd4: {  	v5 =	vmul.f32 v8, v5;
	v6 =	vadd.s32 $0x4, v10;
	v10 =	vmul.f32 $6.931471820e-01, v12  }
0xd5: {  	v13 =	vshrl.u32 v6, $0xF;
	v12 =	vshll.u32 v6, $0x11  }
0xd6: {  	s22 =	sadd.s32 s18, s11;
	v11 =	vadd.s32 v11, v6;
	v6 =	vadd.f32 v5, v4;
	v12 =	vor.u32 v13, v12;
	v4 =	vmovc v10  }
0xd7: {  	v10 =	vadd.s32 s22, v0;
	v5 =	vxor.u32 v11, v12;
	v8 =	vpop (erf)  }
0xd8: {  	v12 =	vshrl.u32 v10, $0x13;
	v13 =	vshrl.u32 v5, $0x3;
	v14 =	vshll.u32 v5, $0x1D  }
0xd9: {  	v15 =	vshll.u32 v10, $0xD;
	v11 =	vadd.s32 v11, v5;
	v5 =	vor.u32 v13, v14  }
0xda: {  	v12 =	vor.u32 v12, v15;
	v13 =	vxor.u32 v11, v5;
	v5 =	vmul.f32 v8, v9  }
0xdb: {  	v8 =	vxor.u32 v10, v12;
	v9 =	vshrl.u32 v13, $0x10;
	v12 =	vshll.u32 v13, $0x10  }
0xdc: {  	v10 =	vadd.s32 v10, v8;
	v11 =	vadd.s32 v11, v13;
	v9 =	vor.u32 v9, v12  }
0xdd: {  	v12 =	vshrl.u32 v8, $0x11;
	v8 =	vshll.u32 v8, $0xF;
	v9 =	vxor.u32 v11, v9  }
0xde: {  	v8 =	vor.u32 v12, v8;
	v12 =	vshrl.u32 v9, $0x8;
	v13 =	vshll.u32 v9, $0x18  }
0xdf: {  	v14 =	vxor.u32 v10, v8;
	v9 =	vadd.s32 v11, v9;
	v8 =	vor.u32 v12, v13  }
0xe0: {  	v10 =	vadd.s32 v10, v14;
	v11 =	vxor.u32 v9, v8;
	v8 =	vmul.f32 v5, v5  }
0xe1: {  	v12 =	vshrl.u32 v14, $0x6;
	v13 =	vshll.u32 v14, $0x1A;
	v11 =	vadd.s32 $0x1BD11BDF, v11  }
0xe2: {  	v9 =	vadd.s32 v11, v9;
	v14 =	vshrl.u32 v11, $0x13;
	v11 =	vshll.u32 v11, $0xD  }
0xe3: {  	v12 =	vor.u32 v12, v13;
	v9 =	vadd.s32 $0x1, v9;
	v11 =	vor.u32 v14, v11  }
0xe4: {  	v12 =	vxor.u32 v10, v12;
	v13 =	vmul.f32 $2.857142980e-01, v8;
	v11 =	vxor.u32 v9, v11  }
0xe5: {  	v14 =	vshrl.u32 v12, $0x1A;
	v15 =	vshrl.u32 v11, $0x11;
	v16 =	vshll.u32 v11, $0xF  }
0xe6: {  	v17 =	vshll.u32 v12, $0x6;
	v9 =	vadd.s32 v9, v11;
	v11 =	vor.u32 v15, v16  }
0xe7: {  	s19 =	sadd.s32 $0x40, s19;
	v10 =	vadd.s32 v10, v12;
	v12 =	vor.u32 v14, v17;
	v11 =	vxor.u32 v9, v11  }
0xe8: {  	s23 =	sand.u32 $0xFE00, s19;
	s22 =	sand.u32 $0x70, s20;
	s20 =	smov.u32 s18;
	v12 =	vxor.u32 v10, v12;
	v14 =	vshrl.u32 v11, $0x6;
	v15 =	vshll.u32 v11, $0x1A  }
0xe9: {  	s18 =	smov.u32 s21;
	s22 =	sor.u32 s22, s23;
	v12 =	vadd.s32 $0x1BD11BDC, v12;
	v16 =	vadd.s32 v9, v11;
	v9 =	vor.u32 v14, v15  }
0xea: {  	v18 =	vadd.f32 $4.000000060e-01, v13;
	v10 =	vadd.s32 v12, v10;
	v14 =	vxor.u32 v16, v9;
	v9 =	vld [tilespmem:s22+$0x80]  }
0xeb: {  	v13 =	vshrl.u32 v12, $0xF;
	v15 =	vshrl.u32 v14, $0x1A;
	v17 =	vshll.u32 v14, $0x6;
	v11 =	vld [tilespmem:s22+$0x0]  }
.Ltmp0:
0xec: {  	v12 =	vshll.u32 v12, $0x11;
	v16 =	vadd.s32 v16, v14;
	v15 =	vor.u32 v15, v17;
	(pc) =	sbr.rel @p0 .LBB2_2-.Ltmp0, $4  }
0xed: {  	v14 =	vadd.s32 $0x1, v10;
	v10 =	vor.u32 v13, v12;
	v13 =	vxor.u32 v16, v15;
	v12 =	vld [tilespmem:s22+$0x100]  }
0xee: {  	v15 =	vxor.u32 v14, v10;
	v10 =	vadd.s32 $0x1BD11BDB, v16;
	v13 =	vadd.s32 $0x5, v13  }
0xef: {  	v17 =	vshrl.u32 v15, $0x3;
	v16 =	vxor.u32 v10, v13;
	v10 =	vmul.f32 v18, v8;
	v13 =	vld [tilespmem:s22+$0x180]  }
0xf0: {  	s21 =	sadd.s32 $0x10, s21;
	v18 =	vshll.u32 v15, $0x1D;
	v19 =	vshrl.u32 v16, $0x9;
	v16 =	vadd.f32 v9, v11  }
0xf1: {  	v14 =	vadd.s32 v14, v15;
	v15 =	vor.u32 v17, v18;
	v17 =	vor.u32 $0x3F800000, v19  }
0xf2: {  	v10 =	vadd.f32 $6.666666860e-01, v10;
	v6 =	vmul.f32 v6, v7;
	v15 =	vxor.u32 v14, v15  }
0xf3: {  	v17 =	vadd.f32 $-1.000000000e+00, v17;
	v18 =	vadd.f32 v12, v16;
	v14 =	vadd.s32 v14, v15  }
0xf4: {  	v19 =	vshrl.u32 v15, $0x10;
	v15 =	vshll.u32 v15, $0x10;
	v8 =	vmul.f32 v10, v8  }
0xf5: {  	v6 =	vadd.f32 v6, v2;
	v20 =	vadd.f32 v13, v18;
	vm0 =	vgt.f32 v17, v11  }
0xf6: {  	vm1 =	vgt.f32 v17, v16;
	vm2 =	vgt.f32 v17, v18;
	v15 =	vor.u32 v19, v15  }
0xf7: {  	v16 =	vsel vm0, $0x1, v1;
	v18 =	vsel vm1, $0x1, v1;
	v15 =	vxor.u32 v14, v15  }
0xf8: {  	v9 =	vsel vm0, v9, v11;
	v8 =	vadd.f32 $2.000000000e+00, v8;
	v16 =	vadd.s32 v16, v18  }
0xf9: {  	v18 =	vsel vm2, $0x1, v1;
	vm3 =	vgt.f32 v17, v20;
	v11 =	vshrl.u32 v15, $0x8  }
0xfa: {  	v9 =	vsel vm1, v12, v9;
	v16 =	vadd.s32 v18, v16;
	v18 =	vshll.u32 v15, $0x18  }
0xfb: {  	v12 =	vadd.s32 v14, v15;
	v17 =	vsel vm3, $0x1, v1;
	v11 =	vor.u32 v11, v18  }
0xfc: {  	v13 =	vsel vm2, v13, v9;
	v9 =	vadd.s32 v17, v16;
	v11 =	vxor.u32 v12, v11  }
0xfd: {  	v14 =	vshrl.u32 v13, $0x17;
	v13 =	vand.u32 $0x7FFFFF, v13;
	v11 =	vadd.s32 $0x2, v11  }
0xfe: {  	v12 =	vadd.s32 v11, v12;
	v15 =	vshrl.u32 v11, $0x13;
	v11 =	vshll.u32 v11, $0xD  }
0xff: {  	v13 =	vor.u32 $0x3F800000, v13;
	v12 =	vadd.s32 $0x1BD11BDB, v12;
	v11 =	vor.u32 v15, v11  }
0x100: {  	v14 =	vand.u32 $0xFF, v14;
	vm7 =	vgt.f32 v13, $1.414213540e+00;
	v11 =	vxor.u32 v12, v11  }
0x101: {  	v15 =	vmul.f32 $5.000000000e-01, v13;
	v16 =	vshrl.u32 v11, $0x11;
	v17 =	vshll.u32 v11, $0xF  }
0x102: {  	v14 =	vadd.s32 $0xFFFFFF81, v14;
	v11 =	vadd.s32 v12, v11;
	v12 =	vor.u32 v16, v17  }
0x103: {  	v14 =	vcvt.s32.f32 v14;
	v13 =	vsel vm7, v15, v13;
	v12 =	vxor.u32 v11, v12  }
0x104: {  	v15 =	vadd.f32 $1.000000000e+00, v13;
	v16 =	vshrl.u32 v12, $0x6;
	v17 =	vshll.u32 v12, $0x1A  }
0x105: {  	v8 =	vmul.f32 v8, v5;
	v11 =	vadd.s32 v11, v12;
	v12 =	vor.u32 v16, v17  }
0x106: {  	(erf) = vrcp.f32 v15;
	v16 =	vadd.f32 $1.000000000e+00, v14;
	v12 =	vxor.u32 v11, v12  }
0x107: {  	s21 =	sadd.s32 s18, s11;
	v10 =	vshrl.u32 v12, $0x1A;
	v15 =	vshll.u32 v12, $0x6;
	v7 =	vadd.s32 v11, v12  }
0x108: {  	v11 =	vsel vm7, v16, v14;
	v12 =	vadd.s32 s21, v0;
	v10 =	vor.u32 v10, v15  }
0x109: {  	v2 =	vmul.f32 $6.931471820e-01, v11;
	v11 =	vshrl.u32 v12, $0x13;
	v14 =	vshll.u32 v12, $0xD  }
0x10a: {  	v8 =	vadd.f32 v8, v4;
	v10 =	vxor.u32 v7, v10;
	v11 =	vor.u32 v11, v14  }
0x10b: {  	v13 =	vadd.f32 $-1.000000000e+00, v13;
	v10 =	vadd.s32 $0x4, v10;
	v11 =	vxor.u32 v12, v11  }
0x10c: {  	v15 =	vshrl.u32 v10, $0xF;
	v16 =	vshll.u32 v10, $0x11;
	v7 =	vadd.s32 v7, v10  }
0x10d: {  	v14 =	vshrl.u32 v11, $0x11;
	v10 =	vor.u32 v15, v16;
	v15 =	vshll.u32 v11, $0xF  }
0x10e: {  	v11 =	vadd.s32 v12, v11;
	v10 =	vxor.u32 v7, v10;
	v12 =	vor.u32 v14, v15  }
0x10f: {  	v5 =	vpop (erf);
	v16 =	vshrl.u32 v10, $0x3;
	v14 =	vshll.u32 v10, $0x1D;
	v7 =	vadd.s32 v7, v10  }
0x110: {  	v10 =	vxor.u32 v11, v12;
	v5 =	vmul.f32 v5, v13;
	v12 =	vor.u32 v16, v14  }
0x111: {  	v14 =	vshrl.u32 v10, $0x6;
	v15 =	vshll.u32 v10, $0x1A;
	v12 =	vxor.u32 v7, v12  }
0x112: {  	v10 =	vadd.s32 v11, v10;
	v11 =	vor.u32 v14, v15;
	v14 =	vshrl.u32 v12, $0x10  }
0x113: {  	v15 =	vshll.u32 v12, $0x10;
	v11 =	vxor.u32 v10, v11;
	v7 =	vadd.s32 v7, v12  }
0x114: {  	v12 =	vshrl.u32 v11, $0x1A;
	v16 =	vshll.u32 v11, $0x6;
	v14 =	vor.u32 v14, v15  }
0x115: {  	v10 =	vadd.s32 v10, v11;
	v11 =	vor.u32 v12, v16;
	v12 =	vxor.u32 v7, v14  }
0x116: {  	v11 =	vxor.u32 v10, v11;
	v13 =	vshrl.u32 v12, $0x8;
	v15 =	vshll.u32 v12, $0x18  }
0x117: {  	v12 =	vadd.s32 v7, v12;
	v11 =	vadd.s32 $0x1BD11BDC, v11;
	v7 =	vor.u32 v13, v15  }
0x118: {  	v10 =	vadd.s32 v11, v10;
	v14 =	vshrl.u32 v11, $0xF;
	v11 =	vshll.u32 v11, $0x11  }
0x119: {  	v7 =	vxor.u32 v12, v7;
	v10 =	vadd.s32 $0x1, v10;
	v11 =	vor.u32 v14, v11  }
0x11a: {  	v3 =	vmul.f32 v8, v3;
	v15 =	vadd.s32 $0x1BD11BDF, v7;
	v11 =	vxor.u32 v10, v11  }
0x11b: {  	v7 =	vmul.f32 v5, v5;
	v13 =	vshrl.u32 v11, $0x3;
	v14 =	vshll.u32 v11, $0x1D  }
0x11c: {  	v12 =	vadd.s32 v15, v12;
	v10 =	vadd.s32 v10, v11;
	v11 =	vor.u32 v13, v14  }
0x11d: {  	v12 =	vadd.s32 $0x1, v12;
	v13 =	vshrl.u32 v15, $0x13;
	v11 =	vxor.u32 v10, v11  }
0x11e: {  	v15 =	vshll.u32 v15, $0xD;
	v14 =	vshrl.u32 v11, $0x10;
	v16 =	vshll.u32 v11, $0x10  }
0x11f: {  	v13 =	vor.u32 v13, v15;
	v10 =	vadd.s32 v10, v11;
	v11 =	vor.u32 v14, v16  }
0x120: {  	v13 =	vxor.u32 v12, v13;
	v16 =	vmul.f32 $2.857142980e-01, v7;
	v11 =	vxor.u32 v10, v11  }
0x121: {  	s22 =	sshra.s32 s19, $0x2;
	v12 =	vadd.s32 v12, v13;
	v14 =	vshrl.u32 v11, $0x8;
	v15 =	vshll.u32 v11, $0x18  }
0x122: {  	[tilespmem:s22+$0x13100] =	vst v9;
	v10 =	vadd.s32 v10, v11;
	v9 =	vadd.f32 $4.000000060e-01, v16;
	v11 =	vor.u32 v14, v15  }
0x123: {  	v14 =	vshrl.u32 v13, $0x11;
	v15 =	vshll.u32 v13, $0xF;
	v11 =	vxor.u32 v10, v11  }
0x124: {  	v13 =	vor.u32 v14, v15;
	v9 =	vmul.f32 v9, v7;
	v11 =	vadd.s32 $0x2, v11  }
0x125: {  	v10 =	vadd.s32 v11, v10;
	v14 =	vshrl.u32 v11, $0x13;
	v11 =	vshll.u32 v11, $0xD  }
0x126: {  	v13 =	vxor.u32 v12, v13;
	v10 =	vadd.s32 $0x1BD11BDB, v10;
	v11 =	vor.u32 v14, v11  }
0x127: {  	v15 =	vshll.u32 v13, $0x1A;
	v12 =	vadd.s32 v12, v13;
	v11 =	vxor.u32 v10, v11  }
0x128: {  	v14 =	vshrl.u32 v13, $0x6;
	v13 =	vshrl.u32 v11, $0x11;
	v17 =	vshll.u32 v11, $0xF  }
0x129: {  	s31 =	sadd.s32 $0x40, s19;
	v3 =	vadd.f32 v3, v6;
	v10 =	vadd.s32 v10, v11;
	v11 =	vor.u32 v13, v17  }
0x12a: {  	s23 =	sand.u32 $0x70, s20;
	s24 =	sand.u32 $0xFE00, s31;
	v9 =	vadd.f32 $6.666666860e-01, v9;
	v14 =	vor.u32 v14, v15;
	v11 =	vxor.u32 v10, v11  }
0x12b: {  	s19 =	sor.u32 s23, s24;
	v4 =	vxor.u32 v12, v14;
	v13 =	vshrl.u32 v11, $0x6;
	v14 =	vshll.u32 v11, $0x1A  }
0x12c: {  	v15 =	vld [tilespmem:s19+$0x80];
	v16 =	vshrl.u32 v4, $0x1A;
	v10 =	vadd.s32 v10, v11;
	v11 =	vor.u32 v13, v14  }
0x12d: {  	v13 =	vshll.u32 v4, $0x6;
	v14 =	vld [tilespmem:s19+$0x0];
	v4 =	vadd.s32 v12, v4;
	v11 =	vxor.u32 v10, v11  }
0x12e: {  	v12 =	vor.u32 v16, v13;
	v13 =	vshrl.u32 v11, $0x1A;
	v16 =	vshll.u32 v11, $0x6  }
0x12f: {  	v17 =	vld [tilespmem:s19+$0x100];
	v12 =	vxor.u32 v4, v12;
	v10 =	vadd.s32 v10, v11;
	v11 =	vor.u32 v13, v16  }
0x130: {  	v4 =	vadd.s32 $0x1BD11BDB, v4;
	v12 =	vadd.s32 $0x5, v12;
	v11 =	vxor.u32 v10, v11  }
0x131: {  	v7 =	vmul.f32 v9, v7;
	v4 =	vxor.u32 v4, v12;
	v12 =	vld [tilespmem:s19+$0x180];
	v11 =	vadd.s32 $0x4, v11  }
0x132: {  	v13 =	vadd.f32 v15, v14;
	v16 =	vshrl.u32 v11, $0xF;
	v18 =	vshll.u32 v11, $0x11  }
0x133: {  	v4 =	vshrl.u32 v4, $0x9;
	v10 =	vadd.s32 v10, v11;
	v11 =	vor.u32 v16, v18  }
0x134: {  	v4 =	vor.u32 $0x3F800000, v4;
	v16 =	vadd.f32 v17, v13;
	v11 =	vxor.u32 v10, v11  }
0x135: {  	v4 =	vadd.f32 $-1.000000000e+00, v4;
	v18 =	vshrl.u32 v11, $0x3;
	v19 =	vshll.u32 v11, $0x1D  }
0x136: {  	v20 =	vadd.f32 v12, v16;
	v10 =	vadd.s32 v10, v11;
	v11 =	vor.u32 v18, v19  }
0x137: {  	vm8 =	vgt.f32 v4, v14;
	vm9 =	vgt.f32 v4, v13;
	v11 =	vxor.u32 v10, v11  }
0x138: {  	vm10 =	vgt.f32 v4, v16;
	v13 =	vshrl.u32 v11, $0x10;
	v16 =	vshll.u32 v11, $0x10  }
0x139: {  	v18 =	vsel vm8, $0x1, v1;
	v10 =	vadd.s32 v10, v11;
	v11 =	vor.u32 v13, v16  }
0x13a: {  	vm11 =	vgt.f32 v4, v20;
	v13 =	vsel vm9, $0x1, v1;
	v4 =	vxor.u32 v10, v11  }
0x13b: {  	v11 =	vadd.s32 v18, v13;
	v13 =	vshrl.u32 v4, $0x8;
	v16 =	vshll.u32 v4, $0x18  }
0x13c: {  	v18 =	vsel vm10, $0x1, v1;
	v4 =	vadd.s32 v10, v4;
	v10 =	vor.u32 v13, v16  }
0x13d: {  	v11 =	vadd.s32 v18, v11;
	v13 =	vsel vm8, v15, v14;
	v10 =	vxor.u32 v4, v10  }
0x13e: {  	v14 =	vsel vm11, $0x1, v1;
	v13 =	vsel vm9, v17, v13;
	v10 =	vadd.s32 $0x1BD11BDF, v10  }
0x13f: {  	v4 =	vadd.s32 v10, v4;
	v15 =	vshrl.u32 v10, $0x13;
	v10 =	vshll.u32 v10, $0xD  }
0x140: {  	v12 =	vsel vm10, v12, v13;
	v4 =	vadd.s32 $0x1, v4;
	v10 =	vor.u32 v15, v10  }
0x141: {  	v11 =	vadd.s32 v14, v11;
	v13 =	vshrl.u32 v12, $0x17;
	v10 =	vxor.u32 v4, v10  }
0x142: {  	v12 =	vand.u32 $0x7FFFFF, v12;
	v14 =	vshrl.u32 v10, $0x11;
	v15 =	vshll.u32 v10, $0xF  }
0x143: {  	v12 =	vor.u32 $0x3F800000, v12;
	v10 =	vadd.s32 v4, v10;
	v4 =	vor.u32 v14, v15  }
0x144: {  	v13 =	vand.u32 $0xFF, v13;
	v14 =	vmul.f32 $5.000000000e-01, v12;
	v15 =	vxor.u32 v10, v4  }
0x145: {  	s25 =	sadd.s32 $0x40, s31;
	vm12 =	vgt.f32 v12, $1.414213540e+00;
	v16 =	vshrl.u32 v15, $0x6;
	v17 =	vshll.u32 v15, $0x1A  }
0x146: {  	s28 =	sand.u32 $0x70, s18;
	s26 =	sshra.s32 s31, $0x2;
	s29 =	sand.u32 $0xFE00, s25;
	v12 =	vsel vm12, v14, v12;
	v10 =	vadd.s32 v10, v15;
	v14 =	vor.u32 v16, v17  }
0x147: {  	s18 =	sor.u32 s28, s29;
	v7 =	vadd.f32 $2.000000000e+00, v7;
	v13 =	vadd.s32 $0xFFFFFF81, v13;
	v4 =	vld [tilespmem:s22+$0xF400];
	[tilespmem:s26+$0x13100] =	vst v11;
	v14 =	vxor.u32 v10, v14  }
0x148: {  	v13 =	vcvt.s32.f32 v13;
	v15 =	vld [tilespmem:s18+$0x80];
	v16 =	vshrl.u32 v14, $0x1A;
	v17 =	vshll.u32 v14, $0x6  }
0x149: {  	v18 =	vld [tilespmem:s18+$0x0];
	v11 =	vadd.f32 $1.000000000e+00, v12;
	v10 =	vadd.s32 v10, v14;
	v14 =	vor.u32 v16, v17  }
0x14a: {  	v5 =	vmul.f32 v7, v5;
	v9 =	vxor.u32 v10, v14;
	v14 =	vadd.f32 $1.000000000e+00, v13  }
0x14b: {  	s30 =	sadd.s32 $0x0, s12;
	v8 =	vld [tilespmem:s18+$0x100];
	(erf) = vrcp.f32 v11;
	v10 =	vadd.s32 $0x1BD11BDB, v10;
	v9 =	vadd.s32 $0x5, v9  }
0x14c: {  	v9 =	vxor.u32 v10, v9;
	v10 =	vsel vm12, v14, v13;
	v13 =	vadd.s32 s30, v0  }
0x14d: {  	v9 =	vshrl.u32 v9, $0x9;
	v14 =	vshrl.u32 v13, $0x13;
	v16 =	vshll.u32 v13, $0xD  }
0x14e: {  	v11 =	vadd.f32 v15, v18;
	v9 =	vor.u32 $0x3F800000, v9;
	v14 =	vor.u32 v14, v16  }
0x14f: {  	v6 =	vmul.f32 $6.931471820e-01, v10;
	v10 =	vld [tilespmem:s18+$0x180];
	v9 =	vadd.f32 $-1.000000000e+00, v9;
	v14 =	vxor.u32 v13, v14  }
0x150: {  	v12 =	vadd.f32 $-1.000000000e+00, v12;
	v16 =	vadd.f32 v8, v11;
	v17 =	vshll.u32 v14, $0xF  }
0x151: {  	vm13 =	vgt.f32 v9, v18;
	vm14 =	vgt.f32 v9, v11;
	v11 =	vshrl.u32 v14, $0x11  }
0x152: {  	v13 =	vadd.s32 v13, v14;
	v15 =	vsel vm13, v15, v18;
	v11 =	vor.u32 v11, v17  }
0x153: {  	vm15 =	vgt.f32 v9, v16;
	v8 =	vsel vm14, v8, v15;
	v11 =	vxor.u32 v13, v11  }
0x154: {  	v8 =	vsel vm15, v10, v8;
	v14 =	vshrl.u32 v11, $0x6;
	v15 =	vshll.u32 v11, $0x1A  }
0x155: {  	v17 =	vpop (erf);
	v11 =	vadd.s32 v13, v11;
	v18 =	vand.u32 $0x7FFFFF, v8;
	v13 =	vor.u32 v14, v15  }
0x156: {  	v12 =	vmul.f32 v17, v12;
	v14 =	vor.u32 $0x3F800000, v18;
	v13 =	vxor.u32 v11, v13  }
0x157: {  	v15 =	vmul.f32 $5.000000000e-01, v14;
	v17 =	vshrl.u32 v13, $0x1A;
	v18 =	vshll.u32 v13, $0x6  }
0x158: {  	vm4 =	vgt.f32 v14, $1.414213540e+00;
	v11 =	vadd.s32 v11, v13;
	v13 =	vor.u32 v17, v18  }
0x159: {  	v7 =	vsel vm4, v15, v14;
	v13 =	vxor.u32 v11, v13  }
0x15a: {  	v2 =	vadd.f32 v5, v2;
	v15 =	vadd.f32 $1.000000000e+00, v7;
	v13 =	vadd.s32 $0x1BD11BDC, v13  }
0x15b: {  	v11 =	vadd.s32 v13, v11;
	v17 =	vshrl.u32 v13, $0xF;
	v13 =	vshll.u32 v13, $0x11  }
0x15c: {  	v10 =	vadd.f32 v10, v16;
	v11 =	vadd.s32 $0x1, v11;
	v13 =	vor.u32 v17, v13  }
0x15d: {  	v16 =	vsel vm14, $0x1, v1;
	(erf) = vrcp.f32 v15;
	v5 =	vxor.u32 v11, v13  }
0x15e: {  	v14 =	vmul.f32 v12, v12;
	v15 =	vshrl.u32 v5, $0x3;
	v17 =	vshll.u32 v5, $0x1D  }
0x15f: {  	vm5 =	vgt.f32 v9, v10;
	v5 =	vadd.s32 v11, v5;
	v11 =	vor.u32 v15, v17  }
0x160: {  	v18 =	vmul.f32 $2.857142980e-01, v14;
	v15 =	vsel vm13, $0x1, v1;
	v11 =	vxor.u32 v5, v11  }
0x161: {  	v15 =	vadd.s32 v15, v16;
	v16 =	vshrl.u32 v11, $0x10;
	v17 =	vshll.u32 v11, $0x10  }
0x162: {  	v13 =	vadd.f32 $4.000000060e-01, v18;
	v5 =	vadd.s32 v5, v11;
	v11 =	vor.u32 v16, v17  }
0x163: {  	v18 =	vsel vm15, $0x1, v1;
	v10 =	vxor.u32 v5, v11;
	v11 =	vsel vm5, $0x1, v1  }
0x164: {  	v9 =	vadd.s32 v18, v15;
	v15 =	vshrl.u32 v10, $0x8;
	v16 =	vshll.u32 v10, $0x18  }
0x165: {  	v7 =	vadd.f32 $-1.000000000e+00, v7;
	v5 =	vadd.s32 v5, v10;
	v10 =	vor.u32 v15, v16  }
0x166: {  	v2 =	vmul.f32 v2, v4;
	v9 =	vadd.s32 v11, v9;
	v11 =	vpop (erf);
	v10 =	vxor.u32 v5, v10  }
0x167: {  	v13 =	vmul.f32 v13, v14;
	v7 =	vmul.f32 v11, v7;
	v10 =	vadd.s32 $0x2, v10  }
0x168: {  	v5 =	vadd.s32 v10, v5;
	v11 =	vshrl.u32 v10, $0x13;
	v10 =	vshll.u32 v10, $0xD  }
0x169: {  	v8 =	vshrl.u32 v8, $0x17;
	v5 =	vadd.s32 $0x1BD11BDB, v5;
	v10 =	vor.u32 v11, v10  }
0x16a: {  	v11 =	vadd.f32 $6.666666860e-01, v13;
	v13 =	vmul.f32 v7, v7;
	v10 =	vxor.u32 v5, v10  }
0x16b: {  	v8 =	vand.u32 $0xFF, v8;
	v15 =	vshrl.u32 v10, $0x11;
	v16 =	vshll.u32 v10, $0xF  }
0x16c: {  	v17 =	vmul.f32 $2.857142980e-01, v13;
	v5 =	vadd.s32 v5, v10;
	v10 =	vor.u32 v15, v16  }
0x16d: {  	v8 =	vadd.s32 $0xFFFFFF81, v8;
	v11 =	vmul.f32 v11, v14;
	v10 =	vxor.u32 v5, v10  }
0x16e: {  	v14 =	vadd.f32 $4.000000060e-01, v17;
	v15 =	vshrl.u32 v10, $0x6;
	v16 =	vshll.u32 v10, $0x1A  }
0x16f: {  	v8 =	vcvt.s32.f32 v8;
	v4 =	vadd.s32 v5, v10;
	v5 =	vor.u32 v15, v16  }
0x170: {  	v11 =	vadd.f32 $2.000000000e+00, v11;
	v14 =	vmul.f32 v14, v13;
	v5 =	vxor.u32 v4, v5  }
0x171: {  	v10 =	vadd.f32 $1.000000000e+00, v8;
	v15 =	vshrl.u32 v5, $0x1A;
	v16 =	vshll.u32 v5, $0x6  }
0x172: {  	v17 =	vld [tilespmem:s26+$0xF400];
	v14 =	vadd.f32 $6.666666860e-01, v14;
	v4 =	vadd.s32 v4, v5;
	v5 =	vor.u32 v15, v16  }
0x173: {  	v8 =	vsel vm4, v10, v8;
	v10 =	vmul.f32 v11, v12;
	v5 =	vxor.u32 v4, v5  }
0x174: {  	v2 =	vadd.f32 v2, v3;
	v3 =	vmul.f32 v14, v13;
	v5 =	vadd.s32 $0x4, v5  }
0x175: {  	v6 =	vadd.f32 v10, v6;
	v10 =	vshrl.u32 v5, $0xF;
	v11 =	vshll.u32 v5, $0x11  }
0x176: {  	v3 =	vadd.f32 $2.000000000e+00, v3;
	v4 =	vadd.s32 v4, v5;
	v5 =	vor.u32 v10, v11  }
0x177: {  	v8 =	vmul.f32 $6.931471820e-01, v8;
	v6 =	vmul.f32 v6, v17;
	v5 =	vxor.u32 v4, v5  }
0x178: {  	s31 =	sadd.s32 $0x10, s12;
	v3 =	vmul.f32 v3, v7;
	v7 =	vshrl.u32 v5, $0x3;
	v10 =	vshll.u32 v5, $0x1D  }
0x179: {  	v11 =	vadd.s32 s31, v0;
	v4 =	vadd.s32 v4, v5;
	v5 =	vor.u32 v7, v10  }
0x17a: {  	v7 =	vshrl.u32 v11, $0x13;
	v10 =	vshll.u32 v11, $0xD;
	v5 =	vxor.u32 v4, v5  }
0x17b: {  	v7 =	vor.u32 v7, v10;
	v10 =	vshrl.u32 v5, $0x10;
	v12 =	vshll.u32 v5, $0x10  }
0x17c: {  	s20 =	sshra.s32 s25, $0x2;
	v7 =	vxor.u32 v11, v7;
	v4 =	vadd.s32 v4, v5;
	v5 =	vor.u32 v10, v12  }
0x17d: {  	s21 =	simm.s32 $0x0;
	[tilespmem:s20+$0x13100] =	vst v9;
	v10 =	vadd.s32 v11, v7;
	v11 =	vshrl.u32 v7, $0x11;
	v5 =	vxor.u32 v4, v5  }
0x17e: {  	v9 =	vld [tilespmem:s20+$0xF400];
	[hbm4b:s5+s21] =	stream.linear.scatter [tilespmem:s15], [sflag:$0x1], $0x3D00, $0x38;
	v7 =	vshll.u32 v7, $0xF;
	v12 =	vshrl.u32 v5, $0x8;
	v13 =	vshll.u32 v5, $0x18  }
0x17f: {  	_ =	swait.ge [sflag:s13], $0x3D00;
	v7 =	vor.u32 v11, v7;
	v4 =	vadd.s32 v4, v5;
	v5 =	vor.u32 v12, v13  }
0x180: {  	[sflag:s13] =	ssyncset.done $0x0;
	v2 =	vadd.f32 v6, v2;
	v6 =	vxor.u32 v10, v7;
	v5 =	vxor.u32 v4, v5  }
0x181: {  	[sflag:s13] =	ssyncadd.s32 $0xFFFFC300;
	v3 =	vadd.f32 v3, v8;
	v7 =	vshrl.u32 v6, $0x6;
	v5 =	vadd.s32 $0x1BD11BDF, v5  }
0x182: {  	[tilespmem:s21], [sflag:$0x1] =	stream.linear.gather [hbm4b:s6+s21], $0xF400, $0x38;
	v4 =	vadd.s32 v5, v4;
	v8 =	vshrl.u32 v5, $0x13;
	v5 =	vshll.u32 v5, $0xD;
	[tilespmem:$0x16E80] =	vst v63  }
0x183: {  	_ =	swait.ge [sflag:s13], $0xF400;
	v11 =	vshll.u32 v6, $0x1A;
	v4 =	vadd.s32 $0x1, v4;
	v5 =	vor.u32 v8, v5  }
0x184: {  	[sflag:s13] =	ssyncset.done $0x0;
	v6 =	vadd.s32 v10, v6;
	v7 =	vor.u32 v7, v11;
	v5 =	vxor.u32 v4, v5  }
0x185: {  	[sflag:s13] =	ssyncadd.s32 $0xFFFF0C00;
	v7 =	vxor.u32 v6, v7;
	v8 =	vshrl.u32 v5, $0x11;
	v10 =	vshll.u32 v5, $0xF  }
0x186: {  	[tilespmem:s14], [sflag:$0x1] =	stream.linear.gather [hbm4b:s7+s21], $0x3D00, $0x38;
	v11 =	vshrl.u32 v7, $0x1A;
	v4 =	vadd.s32 v4, v5;
	v5 =	vor.u32 v8, v10;
	[tilespmem:$0x16E80] =	vst v63  }
0x187: {  	_ =	swait.ge [sflag:s13], $0x3D00;
	v6 =	vadd.s32 v6, v7;
	v8 =	vshll.u32 v7, $0x6;
	v5 =	vxor.u32 v4, v5  }
0x188: {  	s22 =	sand.u32 $0x70, s21;
	s18 =	sand.u32 $0xFE00, s21;
	[sflag:s13] =	ssyncset.done $0x0;
	v7 =	vor.u32 v11, v8;
	v8 =	vshrl.u32 v5, $0x6;
	v10 =	vshll.u32 v5, $0x1A  }
0x189: {  	s18 =	sor.u32 s22, s18;
	[sflag:s13] =	ssyncadd.s32 $0xFFFFC300;
	v7 =	vxor.u32 v6, v7;
	v4 =	vadd.s32 v4, v5;
	v5 =	vor.u32 v8, v10  }
0x18a: {  	v3 =	vmul.f32 v3, v9;
	v11 =	vld [tilespmem:s18+$0x0];
	v7 =	vadd.s32 $0x1BD11BDC, v7;
	v5 =	vxor.u32 v4, v5  }
0x18b: {  	v8 =	vld [tilespmem:s18+$0x80];
	v6 =	vadd.s32 v7, v6;
	v9 =	vshrl.u32 v7, $0xF;
	v7 =	vshll.u32 v7, $0x11  }
0x18c: {  	v10 =	vshrl.u32 v5, $0x1A;
	v12 =	vshll.u32 v5, $0x6;
	v4 =	vadd.s32 v4, v5  }
0x18d: {  	v6 =	vadd.s32 $0x1, v6;
	v7 =	vor.u32 v9, v7;
	v9 =	vld [tilespmem:s18+$0x100];
	v5 =	vor.u32 v10, v12  }
0x18e: {  	v2 =	vadd.f32 v3, v2;
	v3 =	vxor.u32 v4, v5;
	v5 =	vxor.u32 v6, v7  }
0x18f: {  	v10 =	vld [tilespmem:s18+$0x180];
	v4 =	vadd.s32 $0x1BD11BDB, v4;
	v3 =	vadd.s32 $0x5, v3;
	v7 =	vshrl.u32 v5, $0x3  }
0x190: {  	v12 =	vadd.f32 v8, v11;
	v3 =	vxor.u32 v4, v3;
	v4 =	vshll.u32 v5, $0x1D  }
0x191: {  	v5 =	vadd.s32 v6, v5;
	v3 =	vshrl.u32 v3, $0x9;
	v4 =	vor.u32 v7, v4  }
0x192: {  	v6 =	vadd.f32 v9, v12;
	v3 =	vor.u32 $0x3F800000, v3;
	v4 =	vxor.u32 v5, v4  }
0x193: {  	v3 =	vadd.f32 $-1.000000000e+00, v3;
	v7 =	vshrl.u32 v4, $0x10;
	v13 =	vshll.u32 v4, $0x10  }
0x194: {  	v4 =	vadd.s32 v5, v4;
	v5 =	vadd.f32 v10, v6;
	v7 =	vor.u32 v7, v13  }
0x195: {  	vm6 =	vgt.f32 v3, v11;
	vm7 =	vgt.f32 v3, v12;
	v7 =	vxor.u32 v4, v7  }
0x196: {  	vm8 =	vgt.f32 v3, v6;
	v6 =	vshrl.u32 v7, $0x8;
	v12 =	vshll.u32 v7, $0x18  }
0x197: {  	vm9 =	vgt.f32 v3, v5;
	v4 =	vadd.s32 v4, v7;
	v6 =	vor.u32 v6, v12  }
0x198: {  	v13 =	vsel vm6, $0x1, v1;
	v7 =	vsel vm7, $0x1, v1;
	v3 =	vxor.u32 v4, v6  }
0x199: {  	v5 =	vadd.s32 v13, v7;
	v6 =	vsel vm8, $0x1, v1;
	v3 =	vadd.s32 $0x2, v3  }
0x19a: {  	v4 =	vadd.s32 v3, v4;
	v7 =	vshrl.u32 v3, $0x13;
	v3 =	vshll.u32 v3, $0xD  }
0x19b: {  	v5 =	vadd.s32 v6, v5;
	v4 =	vadd.s32 $0x1BD11BDB, v4;
	v3 =	vor.u32 v7, v3  }
0x19c: {  	v6 =	vsel vm9, $0x1, v1;
	v7 =	vsel vm6, v8, v11;
	v3 =	vxor.u32 v4, v3  }
0x19d: {  	v7 =	vsel vm7, v9, v7;
	v8 =	vshrl.u32 v3, $0x11;
	v9 =	vshll.u32 v3, $0xF  }
0x19e: {  	v7 =	vsel vm8, v10, v7;
	v3 =	vadd.s32 v4, v3;
	v4 =	vor.u32 v8, v9  }
0x19f: {  	v5 =	vadd.s32 v6, v5;
	v6 =	vshrl.u32 v7, $0x17;
	v4 =	vxor.u32 v3, v4  }
0x1a0: {  	v7 =	vand.u32 $0x7FFFFF, v7;
	v8 =	vshrl.u32 v4, $0x6;
	v9 =	vshll.u32 v4, $0x1A  }
0x1a1: {  	v7 =	vor.u32 $0x3F800000, v7;
	v3 =	vadd.s32 v3, v4;
	v4 =	vor.u32 v8, v9  }
0x1a2: {  	v6 =	vand.u32 $0xFF, v6;
	vm10 =	vgt.f32 v7, $1.414213540e+00;
	v4 =	vxor.u32 v3, v4  }
0x1a3: {  	v8 =	vmul.f32 $5.000000000e-01, v7;
	v9 =	vshrl.u32 v4, $0x1A;
	v10 =	vshll.u32 v4, $0x6  }
0x1a4: {  	v6 =	vadd.s32 $0xFFFFFF81, v6;
	v3 =	vadd.s32 v3, v4;
	v4 =	vor.u32 v9, v10  }
0x1a5: {  	v6 =	vcvt.s32.f32 v6;
	v7 =	vsel vm10, v8, v7;
	v4 =	vxor.u32 v3, v4  }
0x1a6: {  	v8 =	vadd.f32 $1.000000000e+00, v7;
	v7 =	vadd.f32 $-1.000000000e+00, v7;
	v4 =	vadd.s32 $0x4, v4  }
0x1a7: {  	v9 =	vadd.f32 $1.000000000e+00, v6;
	v10 =	vshrl.u32 v4, $0xF;
	v11 =	vshll.u32 v4, $0x11  }
0x1a8: {  	s23 =	sadd.s32 $0x20, s12;
	(erf) = vrcp.f32 v8;
	v3 =	vadd.s32 v3, v4;
	v4 =	vor.u32 v10, v11  }
0x1a9: {  	v6 =	vsel vm10, v9, v6;
	v8 =	vadd.s32 s23, v0;
	v4 =	vxor.u32 v3, v4  }
0x1aa: {  	v9 =	vshrl.u32 v8, $0x13;
	v10 =	vshrl.u32 v4, $0x3;
	v11 =	vshll.u32 v4, $0x1D  }
0x1ab: {  	v12 =	vshll.u32 v8, $0xD;
	v3 =	vadd.s32 v3, v4;
	v10 =	vor.u32 v10, v11  }
0x1ac: {  	v4 =	vmul.f32 $6.931471820e-01, v6;
	v6 =	vor.u32 v9, v12;
	v9 =	vxor.u32 v3, v10  }
0x1ad: {  	v6 =	vxor.u32 v8, v6;
	v10 =	vshrl.u32 v9, $0x10;
	v11 =	vshll.u32 v9, $0x10  }
0x1ae: {  	v8 =	vadd.s32 v8, v6;
	v3 =	vadd.s32 v3, v9;
	v9 =	vor.u32 v10, v11  }
0x1af: {  	v10 =	vshrl.u32 v6, $0x11;
	v6 =	vshll.u32 v6, $0xF;
	v9 =	vxor.u32 v3, v9  }
0x1b0: {  	v6 =	vor.u32 v10, v6;
	v10 =	vshrl.u32 v9, $0x8;
	v11 =	vshll.u32 v9, $0x18  }
0x1b1: {  	v12 =	vpop (erf);
	v6 =	vxor.u32 v8, v6;
	v9 =	vadd.s32 v3, v9;
	v10 =	vor.u32 v10, v11  }
0x1b2: {  	v3 =	vmul.f32 v12, v7;
	v7 =	vadd.s32 v8, v6;
	v8 =	vxor.u32 v9, v10  }
0x1b3: {  	v10 =	vshrl.u32 v6, $0x6;
	v6 =	vshll.u32 v6, $0x1A;
	v8 =	vadd.s32 $0x1BD11BDF, v8  }
0x1b4: {  	v6 =	vor.u32 v10, v6;
	v9 =	vadd.s32 v8, v9  }
0x1b5: {  	v11 =	vshrl.u32 v8, $0x13;
	v8 =	vshll.u32 v8, $0xD;
	v6 =	vxor.u32 v7, v6  }
0x1b6: {  	v9 =	vadd.s32 $0x1, v9;
	v8 =	vor.u32 v11, v8;
	v11 =	vshrl.u32 v6, $0x1A  }
0x1b7: {  	v14 =	vshll.u32 v6, $0x6;
	v6 =	vadd.s32 v7, v6;
	v8 =	vxor.u32 v9, v8  }
0x1b8: {  	v7 =	vor.u32 v11, v14;
	v12 =	vshrl.u32 v8, $0x11;
	v13 =	vshll.u32 v8, $0xF  }
0x1b9: {  	s26 =	simm.s32 $0x0;
	v8 =	vadd.s32 v9, v8;
	v7 =	vxor.u32 v6, v7;
	v9 =	vor.u32 v12, v13  }
0x1ba: {  	[tilespmem:s26+$0x13100] =	vst v5;
	v10 =	vmul.f32 v3, v3;
	v5 =	vadd.s32 $0x1BD11BDC, v7;
	v9 =	vxor.u32 v8, v9  }
0x1bb: {  	s24 =	simm.s32 $0x10;
	s25 =	simm.s32 $0x40;
	v6 =	vadd.s32 v5, v6;
	v11 =	vshrl.u32 v9, $0x6  }
0x1bc: {  	s19 =	sand.u32 $0x70, s24;
	s20 =	sand.u32 $0xFE00, s25;
	v12 =	vshll.u32 v9, $0x1A;
	v7 =	vadd.s32 v8, v9;
	v9 =	vmul.f32 $2.857142980e-01, v10  }
0x1bd: {  	s19 =	sor.u32 s19, s20;
	v8 =	vor.u32 v11, v12;
	v12 =	vshrl.u32 v5, $0xF;
	v5 =	vshll.u32 v5, $0x11  }
0x1be: {  	v15 =	vld [tilespmem:s19+$0x0];
	v6 =	vadd.s32 $0x1, v6;
	v8 =	vxor.u32 v7, v8;
	v5 =	vor.u32 v12, v5  }
0x1bf: {  	v11 =	vld [tilespmem:s19+$0x80];
	v9 =	vadd.f32 $4.000000060e-01, v9;
	v13 =	vshrl.u32 v8, $0x1A;
	v14 =	vshll.u32 v8, $0x6  }
0x1c0: {  	v7 =	vadd.s32 v7, v8;
	v5 =	vxor.u32 v6, v5;
	v8 =	vor.u32 v13, v14  }
0x1c1: {  	v13 =	vshrl.u32 v5, $0x3;
	v14 =	vshll.u32 v5, $0x1D;
	v5 =	vadd.s32 v6, v5  }
0x1c2: {  	v12 =	vld [tilespmem:s19+$0x100];
	v9 =	vmul.f32 v9, v10;
	v8 =	vxor.u32 v7, v8;
	v6 =	vor.u32 v13, v14  }
0x1c3: {  	v7 =	vadd.s32 $0x1BD11BDB, v7;
	v8 =	vadd.s32 $0x5, v8;
	v6 =	vxor.u32 v5, v6  }
0x1c4: {  	v16 =	vadd.f32 v11, v15;
	v7 =	vxor.u32 v7, v8;
	v8 =	vld [tilespmem:s19+$0x180];
	v5 =	vadd.s32 v5, v6  }
0x1c5: {  	v14 =	vshrl.u32 v6, $0x10;
	v6 =	vshll.u32 v6, $0x10;
	v7 =	vshrl.u32 v7, $0x9  }
0x1c6: {  	v9 =	vadd.f32 $6.666666860e-01, v9;
	v6 =	vor.u32 v14, v6;
	v7 =	vor.u32 $0x3F800000, v7  }
0x1c7: {  	v13 =	vadd.f32 v12, v16;
	v6 =	vxor.u32 v5, v6;
	v7 =	vadd.f32 $-1.000000000e+00, v7  }
0x1c8: {  	v9 =	vmul.f32 v9, v10;
	v14 =	vshrl.u32 v6, $0x8;
	v5 =	vadd.s32 v5, v6  }
0x1c9: {  	v17 =	vadd.f32 v8, v13;
	vm11 =	vgt.f32 v7, v15;
	vm12 =	vgt.f32 v7, v16  }
0x1ca: {  	vm13 =	vgt.f32 v7, v13;
	v13 =	vsel vm11, $0x1, v1;
	v16 =	vsel vm12, $0x1, v1  }
0x1cb: {  	v11 =	vsel vm11, v11, v15;
	v15 =	vshll.u32 v6, $0x18;
	vm14 =	vgt.f32 v7, v17  }
0x1cc: {  	v7 =	vadd.s32 v13, v16;
	v11 =	vsel vm12, v12, v11;
	v6 =	vor.u32 v14, v15  }
0x1cd: {  	v13 =	vsel vm13, $0x1, v1;
	v8 =	vsel vm13, v8, v11;
	v6 =	vxor.u32 v5, v6  }
0x1ce: {  	v7 =	vadd.s32 v13, v7;
	v12 =	vshrl.u32 v8, $0x17;
	v6 =	vadd.s32 $0x2, v6  }
0x1cf: {  	v5 =	vadd.s32 v6, v5;
	v13 =	vshrl.u32 v6, $0x13;
	v6 =	vshll.u32 v6, $0xD  }
0x1d0: {  	v8 =	vand.u32 $0x7FFFFF, v8;
	v5 =	vadd.s32 $0x1BD11BDB, v5;
	v6 =	vor.u32 v13, v6  }
0x1d1: {  	v9 =	vadd.f32 $2.000000000e+00, v9;
	v8 =	vor.u32 $0x3F800000, v8;
	v6 =	vxor.u32 v5, v6  }
0x1d2: {  	v13 =	vmul.f32 $5.000000000e-01, v8;
	v14 =	vshrl.u32 v6, $0x11;
	v15 =	vshll.u32 v6, $0xF  }
0x1d3: {  	vm15 =	vgt.f32 v8, $1.414213540e+00;
	v5 =	vadd.s32 v5, v6;
	v6 =	vor.u32 v14, v15  }
0x1d4: {  	v9 =	vmul.f32 v9, v3;
	v8 =	vsel vm15, v13, v8;
	v6 =	vxor.u32 v5, v6  }
0x1d5: {  	v13 =	vadd.f32 $1.000000000e+00, v8;
	v14 =	vshrl.u32 v6, $0x6;
	v15 =	vshll.u32 v6, $0x1A  }
0x1d6: {  	v12 =	vand.u32 $0xFF, v12;
	v5 =	vadd.s32 v5, v6;
	v6 =	vor.u32 v14, v15  }
0x1d7: {  	v12 =	vadd.s32 $0xFFFFFF81, v12;
	(erf) = vrcp.f32 v13;
	v6 =	vxor.u32 v5, v6  }
0x1d8: {  	v12 =	vcvt.s32.f32 v12;
	v10 =	vshrl.u32 v6, $0x1A;
	v13 =	vshll.u32 v6, $0x6  }
0x1d9: {  	v4 =	vadd.f32 v9, v4;
	v5 =	vadd.s32 v5, v6;
	v6 =	vor.u32 v10, v13  }
0x1da: {  	s28 =	sadd.s32 $0x30, s12;
	v11 =	vsel vm14, $0x1, v1;
	v14 =	vadd.f32 $1.000000000e+00, v12;
	v6 =	vxor.u32 v5, v6  }
0x1db: {  	v9 =	vadd.s32 s28, v0;
	v7 =	vadd.s32 v11, v7;
	v6 =	vadd.s32 $0x4, v6  }
0x1dc: {  	v10 =	vsel vm15, v14, v12;
	v11 =	vshrl.u32 v6, $0xF;
	v12 =	vshll.u32 v6, $0x11  }
0x1dd: {  	v8 =	vadd.f32 $-1.000000000e+00, v8;
	v5 =	vadd.s32 v5, v6;
	v6 =	vor.u32 v11, v12  }
0x1de: {  	v14 =	vshll.u32 v9, $0xD;
	v3 =	vmul.f32 $6.931471820e-01, v10;
	v6 =	vxor.u32 v5, v6  }
0x1df: {  	v10 =	vshrl.u32 v9, $0x13;
	v11 =	vshrl.u32 v6, $0x3;
	v12 =	vshll.u32 v6, $0x1D  }
0x1e0: {  	v10 =	vor.u32 v10, v14;
	v13 =	vpop (erf);
	v6 =	vadd.s32 v5, v6;
	v5 =	vor.u32 v11, v12  }
0x1e1: {  	v11 =	vxor.u32 v6, v5;
	v5 =	vmul.f32 v13, v8;
	v8 =	vxor.u32 v9, v10  }
0x1e2: {  	v10 =	vshrl.u32 v11, $0x10;
	v12 =	vshll.u32 v11, $0x10;
	v9 =	vadd.s32 v9, v8  }
0x1e3: {  	v6 =	vadd.s32 v6, v11;
	v11 =	vshrl.u32 v8, $0x11;
	v8 =	vshll.u32 v8, $0xF  }
0x1e4: {  	v10 =	vor.u32 v10, v12;
	v8 =	vor.u32 v11, v8  }
0x1e5: {  	v10 =	vxor.u32 v6, v10;
	v13 =	vxor.u32 v9, v8  }
0x1e6: {  	v11 =	vshrl.u32 v10, $0x8;
	v12 =	vshll.u32 v10, $0x18;
	v6 =	vadd.s32 v6, v10  }
0x1e7: {  	v8 =	vor.u32 v11, v12;
	v11 =	vshrl.u32 v13, $0x6;
	v12 =	vshll.u32 v13, $0x1A  }
0x1e8: {  	v9 =	vadd.s32 v9, v13;
	v10 =	vxor.u32 v6, v8;
	v11 =	vor.u32 v11, v12  }
0x1e9: {  	v8 =	vmul.f32 v5, v5;
	v10 =	vadd.s32 $0x1BD11BDF, v10;
	v11 =	vxor.u32 v9, v11  }
0x1ea: {  	v6 =	vadd.s32 v10, v6;
	v13 =	vshrl.u32 v10, $0x13;
	v10 =	vshll.u32 v10, $0xD  }
0x1eb: {  	v12 =	vshrl.u32 v11, $0x1A;
	v6 =	vadd.s32 $0x1, v6;
	v10 =	vor.u32 v13, v10  }
0x1ec: {  	v16 =	vshll.u32 v11, $0x6;
	v9 =	vadd.s32 v9, v11;
	v10 =	vxor.u32 v6, v10  }
0x1ed: {  	v11 =	vor.u32 v12, v16;
	v14 =	vshrl.u32 v10, $0x11;
	v15 =	vshll.u32 v10, $0xF  }
0x1ee: {  	s30 =	simm.s32 $0x10;
	v11 =	vxor.u32 v9, v11;
	v10 =	vadd.s32 v6, v10;
	v6 =	vor.u32 v14, v15  }
0x1ef: {  	s29 =	simm.s32 $0x20;
	s19 =	simm.s32 $0x80;
	v13 =	vmul.f32 $2.857142980e-01, v8;
	v12 =	vxor.u32 v10, v6;
	v6 =	vld [tilespmem:s26+$0xF400];
	[tilespmem:s30+$0x13100] =	vst v7;
	v7 =	vadd.s32 $0x1BD11BDC, v11  }
0x1f0: {  	s20 =	sand.u32 $0x70, s29;
	s31 =	sand.u32 $0xFE00, s19;
	v14 =	vshrl.u32 v12, $0x6;
	v15 =	vshll.u32 v12, $0x1A;
	v10 =	vadd.s32 v10, v12  }
0x1f1: {  	s21 =	sor.u32 s20, s31;
	v9 =	vadd.s32 v7, v9;
	v16 =	vshrl.u32 v7, $0xF;
	v11 =	vor.u32 v14, v15  }
0x1f2: {  	v12 =	vld [tilespmem:s21+$0x80];
	v7 =	vshll.u32 v7, $0x11;
	v15 =	vadd.f32 $4.000000060e-01, v13;
	v11 =	vxor.u32 v10, v11  }
0x1f3: {  	v13 =	vld [tilespmem:s21+$0x0];
	v14 =	vshrl.u32 v11, $0x1A;
	v17 =	vshll.u32 v11, $0x6;
	v10 =	vadd.s32 v10, v11  }
0x1f4: {  	v11 =	vor.u32 v14, v17;
	v14 =	vadd.s32 $0x1, v9;
	v9 =	vor.u32 v16, v7  }
0x1f5: {  	v11 =	vxor.u32 v10, v11;
	v16 =	vxor.u32 v14, v9;
	v9 =	vadd.s32 $0x1BD11BDB, v10;
	v10 =	vld [tilespmem:s21+$0x100]  }
0x1f6: {  	v11 =	vadd.s32 $0x5, v11  }
0x1f7: {  	v17 =	vshrl.u32 v16, $0x3;
	v19 =	vshll.u32 v16, $0x1D;
	v18 =	vxor.u32 v9, v11;
	v11 =	vld [tilespmem:s21+$0x180]  }
0x1f8: {  	s18 =	simm.s32 $0x40;
	s20 =	simm.s32 $0x30;
	v7 =	vld [tilespmem:s30+$0xF400];
	v9 =	vmul.f32 v15, v8;
	s21 =	simm.s32 $0x50;
	v15 =	vadd.f32 v12, v13;
	v18 =	vshrl.u32 v18, $0x9  }
.LBB2_4:
0x1f9: {  	p0 =	sne.s32 s21, $0x3CF0;
	v14 =	vadd.s32 v14, v16;
	v16 =	vor.u32 v17, v19;
	v17 =	vor.u32 $0x3F800000, v18  }
0x1fa: {  	v16 =	vxor.u32 v14, v16;
	v17 =	vadd.f32 $-1.000000000e+00, v17;
	v18 =	vadd.f32 v10, v15  }
0x1fb: {  	v14 =	vadd.s32 v14, v16;
	v19 =	vshrl.u32 v16, $0x10;
	v16 =	vshll.u32 v16, $0x10  }
0x1fc: {  	v20 =	vadd.f32 v11, v18;
	vm0 =	vgt.f32 v17, v13;
	vm1 =	vgt.f32 v17, v15  }
0x1fd: {  	vm2 =	vgt.f32 v17, v18;
	v15 =	vsel vm0, $0x1, v1;
	v18 =	vsel vm1, $0x1, v1  }
0x1fe: {  	vm3 =	vgt.f32 v17, v20;
	v15 =	vadd.s32 v15, v18;
	v17 =	vsel vm2, $0x1, v1  }
0x1ff: {  	v16 =	vor.u32 v19, v16;
	v15 =	vadd.s32 v17, v15;
	v17 =	vsel vm3, $0x1, v1  }
0x200: {  	s22 =	sshra.s32 s19, $0x2;
	v16 =	vxor.u32 v14, v16;
	v12 =	vsel vm0, v12, v13;
	v15 =	vadd.s32 v17, v15  }
0x201: {  	v13 =	vshrl.u32 v16, $0x8;
	v10 =	vsel vm1, v10, v12;
	v17 =	vshll.u32 v16, $0x18;
	[tilespmem:s22+$0x13100] =	vst v15;
	v12 =	vld [tilespmem:s22+$0xF400]  }
0x202: {  	v14 =	vadd.s32 v14, v16;
	v10 =	vsel vm2, v11, v10;
	v13 =	vor.u32 v13, v17  }
0x203: {  	v11 =	vxor.u32 v14, v13;
	v13 =	vshrl.u32 v10, $0x17;
	v10 =	vand.u32 $0x7FFFFF, v10  }
0x204: {  	v11 =	vadd.s32 $0x2, v11;
	v13 =	vand.u32 $0xFF, v13;
	v10 =	vor.u32 $0x3F800000, v10  }
0x205: {  	v14 =	vadd.s32 v11, v14;
	v15 =	vshrl.u32 v11, $0x13;
	v11 =	vshll.u32 v11, $0xD  }
0x206: {  	v14 =	vadd.s32 $0x1BD11BDB, v14;
	v11 =	vor.u32 v15, v11;
	v15 =	vmul.f32 $5.000000000e-01, v10  }
0x207: {  	v9 =	vadd.f32 $6.666666860e-01, v9;
	vm0 =	vgt.f32 v10, $1.414213540e+00;
	v11 =	vxor.u32 v14, v11  }
0x208: {  	v16 =	vshrl.u32 v11, $0x11;
	v17 =	vshll.u32 v11, $0xF;
	v10 =	vsel vm0, v15, v10  }
0x209: {  	v11 =	vadd.s32 v14, v11;
	v14 =	vor.u32 v16, v17;
	v15 =	vadd.f32 $1.000000000e+00, v10  }
0x20a: {  	v13 =	vadd.s32 $0xFFFFFF81, v13;
	v10 =	vadd.f32 $-1.000000000e+00, v10;
	v14 =	vxor.u32 v11, v14  }
0x20b: {  	v16 =	vshrl.u32 v14, $0x6;
	v17 =	vshll.u32 v14, $0x1A;
	(erf) = vrcp.f32 v15  }
0x20c: {  	v13 =	vcvt.s32.f32 v13;
	v11 =	vadd.s32 v11, v14;
	v14 =	vor.u32 v16, v17  }
0x20d: {  	v4 =	vmul.f32 v4, v6;
	v6 =	vmovc v7;
	v8 =	vmul.f32 v9, v8;
	v14 =	vxor.u32 v11, v14  }
0x20e: {  	v7 =	vmovc v12;
	v16 =	vadd.f32 $1.000000000e+00, v13;
	v9 =	vshrl.u32 v14, $0x1A;
	v15 =	vshll.u32 v14, $0x6  }
0x20f: {  	v8 =	vadd.f32 $2.000000000e+00, v8;
	v11 =	vadd.s32 v11, v14;
	v9 =	vor.u32 v9, v15  }
0x210: {  	v2 =	vadd.f32 v4, v2;
	v12 =	vsel vm0, v16, v13;
	v9 =	vxor.u32 v11, v9  }
0x211: {  	v5 =	vmul.f32 v8, v5;
	v4 =	vadd.s32 $0x4, v9;
	v9 =	vmul.f32 $6.931471820e-01, v12  }
0x212: {  	v13 =	vshrl.u32 v4, $0xF;
	v12 =	vshll.u32 v4, $0x11  }
0x213: {  	s22 =	sadd.s32 s18, s12;
	v11 =	vadd.s32 v11, v4;
	v4 =	vadd.f32 v5, v3;
	v12 =	vor.u32 v13, v12;
	v3 =	vmovc v9  }
0x214: {  	v9 =	vadd.s32 s22, v0;
	v5 =	vxor.u32 v11, v12;
	v8 =	vpop (erf)  }
0x215: {  	v12 =	vshrl.u32 v9, $0x13;
	v13 =	vshrl.u32 v5, $0x3;
	v14 =	vshll.u32 v5, $0x1D  }
0x216: {  	v15 =	vshll.u32 v9, $0xD;
	v11 =	vadd.s32 v11, v5;
	v5 =	vor.u32 v13, v14  }
0x217: {  	v12 =	vor.u32 v12, v15;
	v13 =	vxor.u32 v11, v5;
	v5 =	vmul.f32 v8, v10  }
0x218: {  	v8 =	vxor.u32 v9, v12;
	v10 =	vshrl.u32 v13, $0x10;
	v12 =	vshll.u32 v13, $0x10  }
0x219: {  	v9 =	vadd.s32 v9, v8;
	v11 =	vadd.s32 v11, v13;
	v10 =	vor.u32 v10, v12  }
0x21a: {  	v12 =	vshrl.u32 v8, $0x11;
	v8 =	vshll.u32 v8, $0xF;
	v10 =	vxor.u32 v11, v10  }
0x21b: {  	v8 =	vor.u32 v12, v8;
	v12 =	vshrl.u32 v10, $0x8;
	v13 =	vshll.u32 v10, $0x18  }
0x21c: {  	v14 =	vxor.u32 v9, v8;
	v10 =	vadd.s32 v11, v10;
	v8 =	vor.u32 v12, v13  }
0x21d: {  	v9 =	vadd.s32 v9, v14;
	v11 =	vxor.u32 v10, v8;
	v8 =	vmul.f32 v5, v5  }
0x21e: {  	v12 =	vshrl.u32 v14, $0x6;
	v13 =	vshll.u32 v14, $0x1A;
	v11 =	vadd.s32 $0x1BD11BDF, v11  }
0x21f: {  	v10 =	vadd.s32 v11, v10;
	v14 =	vshrl.u32 v11, $0x13;
	v11 =	vshll.u32 v11, $0xD  }
0x220: {  	v12 =	vor.u32 v12, v13;
	v10 =	vadd.s32 $0x1, v10;
	v11 =	vor.u32 v14, v11  }
0x221: {  	v12 =	vxor.u32 v9, v12;
	v13 =	vmul.f32 $2.857142980e-01, v8;
	v11 =	vxor.u32 v10, v11  }
0x222: {  	v14 =	vshrl.u32 v12, $0x1A;
	v15 =	vshrl.u32 v11, $0x11;
	v16 =	vshll.u32 v11, $0xF  }
0x223: {  	v17 =	vshll.u32 v12, $0x6;
	v10 =	vadd.s32 v10, v11;
	v11 =	vor.u32 v15, v16  }
0x224: {  	s19 =	sadd.s32 $0x40, s19;
	v9 =	vadd.s32 v9, v12;
	v12 =	vor.u32 v14, v17;
	v11 =	vxor.u32 v10, v11  }
0x225: {  	s23 =	sand.u32 $0xFE00, s19;
	s22 =	sand.u32 $0x70, s20;
	s20 =	smov.u32 s18;
	v12 =	vxor.u32 v9, v12;
	v14 =	vshrl.u32 v11, $0x6;
	v15 =	vshll.u32 v11, $0x1A  }
0x226: {  	s18 =	smov.u32 s21;
	s22 =	sor.u32 s22, s23;
	v16 =	vadd.s32 $0x1BD11BDC, v12;
	v10 =	vadd.s32 v10, v11;
	v11 =	vor.u32 v14, v15  }
0x227: {  	v9 =	vadd.s32 v16, v9;
	v15 =	vadd.f32 $4.000000060e-01, v13;
	v11 =	vxor.u32 v10, v11;
	v12 =	vld [tilespmem:s22+$0x80]  }
0x228: {  	v17 =	vshrl.u32 v16, $0xF;
	v14 =	vshrl.u32 v11, $0x1A;
	v18 =	vshll.u32 v11, $0x6;
	v13 =	vld [tilespmem:s22+$0x0]  }
.Ltmp1:
0x229: {  	v16 =	vshll.u32 v16, $0x11;
	v11 =	vadd.s32 v10, v11;
	v10 =	vor.u32 v14, v18;
	(pc) =	sbr.rel @p0 .LBB2_4-.Ltmp1, $4  }
0x22a: {  	v14 =	vadd.s32 $0x1, v9;
	v9 =	vor.u32 v17, v16;
	v17 =	vxor.u32 v11, v10;
	v10 =	vld [tilespmem:s22+$0x100]  }
0x22b: {  	v16 =	vxor.u32 v14, v9;
	v9 =	vadd.s32 $0x1BD11BDB, v11;
	v11 =	vadd.s32 $0x5, v17  }
0x22c: {  	v17 =	vshrl.u32 v16, $0x3;
	v18 =	vxor.u32 v9, v11;
	v9 =	vmul.f32 v15, v8;
	v11 =	vld [tilespmem:s22+$0x180]  }
0x22d: {  	s21 =	sadd.s32 $0x10, s21;
	v19 =	vshll.u32 v16, $0x1D;
	v18 =	vshrl.u32 v18, $0x9;
	v15 =	vadd.f32 v12, v13  }
0x22e: {  	v14 =	vadd.s32 v14, v16;
	v26 =	vor.u32 v17, v19  }
0x22f: {  	v16 =	vxor.u32 v14, v26  }
0x230: {  	v27 =	vshrl.u32 v16, $0x10;
	v28 =	vshll.u32 v16, $0x10  }
0x231: {  	v30 =	vor.u32 $0x3F800000, v18;
	v14 =	vadd.s32 v14, v16;
	v29 =	vor.u32 v27, v28  }
0x232: {  	s21 =	sadd.s32 s18, s12;
	v31 =	vadd.f32 v10, v15;
	v17 =	vadd.f32 $-1.000000000e+00, v30;
	v16 =	vxor.u32 v14, v29  }
0x233: {  	v41 =	vadd.s32 s21, v0;
	v32 =	vshrl.u32 v16, $0x8;
	v20 =	vshll.u32 v16, $0x18  }
0x234: {  	v42 =	vshrl.u32 v41, $0x13;
	v14 =	vadd.s32 v14, v16;
	v33 =	vor.u32 v32, v20  }
0x235: {  	v43 =	vshll.u32 v41, $0xD;
	v34 =	vadd.f32 v11, v31;
	v16 =	vxor.u32 v14, v33  }
0x236: {  	vm2 =	vgt.f32 v17, v13;
	vm1 =	vgt.f32 v17, v15;
	v35 =	vadd.s32 $0x2, v16  }
0x237: {  	v14 =	vadd.s32 v35, v14;
	v16 =	vshrl.u32 v35, $0x13;
	v15 =	vshll.u32 v35, $0xD  }
0x238: {  	v19 =	vor.u32 v42, v43;
	v14 =	vadd.s32 $0x1BD11BDB, v14;
	v15 =	vor.u32 v16, v15  }
0x239: {  	vm0 =	vgt.f32 v17, v31;
	v19 =	vxor.u32 v41, v19;
	v15 =	vxor.u32 v14, v15  }
0x23a: {  	vm3 =	vgt.f32 v17, v34;
	v38 =	vshrl.u32 v15, $0x11;
	v39 =	vshll.u32 v15, $0xF  }
0x23b: {  	v45 =	vshrl.u32 v19, $0x11;
	v14 =	vadd.s32 v14, v15;
	v40 =	vor.u32 v38, v39  }
0x23c: {  	v46 =	vshll.u32 v19, $0xF;
	v17 =	vadd.s32 v41, v19;
	v15 =	vxor.u32 v14, v40  }
0x23d: {  	v48 =	vor.u32 v45, v46;
	v21 =	vshrl.u32 v15, $0x6;
	v22 =	vshll.u32 v15, $0x1A  }
0x23e: {  	v50 =	vxor.u32 v17, v48;
	v14 =	vadd.s32 v14, v15;
	v44 =	vor.u32 v21, v22  }
0x23f: {  	v52 =	vshrl.u32 v50, $0x6;
	v53 =	vshll.u32 v50, $0x1A;
	v15 =	vxor.u32 v14, v44  }
0x240: {  	v36 =	vsel vm2, $0x1, v1;
	v54 =	vor.u32 v52, v53;
	v47 =	vshrl.u32 v15, $0x1A  }
0x241: {  	v49 =	vshll.u32 v15, $0x6;
	v14 =	vadd.s32 v14, v15;
	v15 =	vadd.s32 v17, v50  }
0x242: {  	v37 =	vsel vm1, $0x1, v1;
	v51 =	vor.u32 v47, v49;
	v17 =	vxor.u32 v15, v54  }
0x243: {  	v61 =	vsel vm0, $0x1, v1;
	v19 =	vxor.u32 v14, v51;
	v56 =	vshrl.u32 v17, $0x1A  }
0x244: {  	v57 =	vshll.u32 v17, $0x6;
	v15 =	vadd.s32 v15, v17;
	v55 =	vadd.s32 $0x4, v19  }
0x245: {  	v59 =	vor.u32 v56, v57;
	v19 =	vshrl.u32 v55, $0xF;
	v58 =	vshll.u32 v55, $0x11  }
0x246: {  	v14 =	vadd.s32 v14, v55;
	v17 =	vxor.u32 v15, v59;
	v60 =	vor.u32 v19, v58  }
0x247: {  	v41 =	vsel vm3, $0x1, v1;
	v17 =	vadd.s32 $0x1BD11BDC, v17;
	v18 =	vxor.u32 v14, v60  }
0x248: {  	v15 =	vadd.s32 v17, v15;
	v62 =	vshrl.u32 v17, $0xF;
	v17 =	vshll.u32 v17, $0x11  }
0x249: {  	v63 =	vshrl.u32 v18, $0x3;
	v15 =	vadd.s32 $0x1, v15;
	v17 =	vor.u32 v62, v17  }
0x24a: {  	v24 =	vshll.u32 v18, $0x1D;
	v14 =	vadd.s32 v14, v18;
	v17 =	vxor.u32 v15, v17  }
0x24b: {  	v25 =	vor.u32 v63, v24;
	v26 =	vshrl.u32 v17, $0x3;
	v27 =	vshll.u32 v17, $0x1D  }
0x24c: {  	v18 =	vxor.u32 v14, v25;
	v15 =	vadd.s32 v15, v17;
	v28 =	vor.u32 v26, v27  }
0x24d: {  	v29 =	vshrl.u32 v18, $0x10;
	v30 =	vshll.u32 v18, $0x10;
	v17 =	vxor.u32 v15, v28  }
0x24e: {  	v14 =	vadd.s32 v14, v18;
	v31 =	vshrl.u32 v17, $0x10;
	v32 =	vshll.u32 v17, $0x10  }
0x24f: {  	v20 =	vor.u32 v29, v30;
	v15 =	vadd.s32 v15, v17;
	v33 =	vor.u32 v31, v32  }
0x250: {  	v16 =	vadd.s32 v36, v37;
	v34 =	vxor.u32 v14, v20;
	v17 =	vxor.u32 v15, v33  }
0x251: {  	v35 =	vshrl.u32 v34, $0x8;
	v36 =	vshrl.u32 v17, $0x8;
	v37 =	vshll.u32 v17, $0x18  }
0x252: {  	v38 =	vshll.u32 v34, $0x18;
	v15 =	vadd.s32 v15, v17;
	v39 =	vor.u32 v36, v37  }
0x253: {  	v14 =	vadd.s32 v14, v34;
	v40 =	vor.u32 v35, v38;
	v17 =	vxor.u32 v15, v39  }
0x254: {  	v16 =	vadd.s32 v61, v16;
	v18 =	vxor.u32 v14, v40;
	v17 =	vadd.s32 $0x2, v17  }
0x255: {  	v15 =	vadd.s32 v17, v15;
	v42 =	vshrl.u32 v17, $0x13;
	v17 =	vshll.u32 v17, $0xD  }
0x256: {  	v18 =	vadd.s32 $0x1BD11BDF, v18;
	v15 =	vadd.s32 $0x1BD11BDB, v15;
	v17 =	vor.u32 v42, v17  }
0x257: {  	s23 =	sadd.s32 $0x40, s19;
	v16 =	vadd.s32 v41, v16;
	v14 =	vadd.s32 v18, v14;
	v17 =	vxor.u32 v15, v17  }
0x258: {  	s22 =	sshra.s32 s19, $0x2;
	s24 =	sand.u32 $0x70, s20;
	s25 =	sand.u32 $0xFE00, s23;
	v43 =	vshrl.u32 v18, $0x13;
	v44 =	vshrl.u32 v17, $0x11;
	v45 =	vshll.u32 v17, $0xF  }
0x259: {  	s19 =	sor.u32 s24, s25;
	[tilespmem:s22+$0x13100] =	vst v16;
	v18 =	vshll.u32 v18, $0xD;
	v15 =	vadd.s32 v15, v17;
	v46 =	vor.u32 v44, v45  }
0x25a: {  	v63 =	vld [tilespmem:s19+$0x80];
	v14 =	vadd.s32 $0x1, v14;
	v18 =	vor.u32 v43, v18;
	v17 =	vxor.u32 v15, v46  }
0x25b: {  	v25 =	vld [tilespmem:s19+$0x0];
	v18 =	vxor.u32 v14, v18;
	v47 =	vshrl.u32 v17, $0x6;
	v48 =	vshll.u32 v17, $0x1A  }
0x25c: {  	v49 =	vshrl.u32 v18, $0x11;
	v15 =	vadd.s32 v15, v17;
	v50 =	vor.u32 v47, v48  }
0x25d: {  	v51 =	vshll.u32 v18, $0xF;
	v14 =	vadd.s32 v14, v18;
	v17 =	vxor.u32 v15, v50  }
0x25e: {  	v52 =	vor.u32 v49, v51;
	v53 =	vshrl.u32 v17, $0x1A;
	v54 =	vshll.u32 v17, $0x6  }
0x25f: {  	v18 =	vxor.u32 v14, v52;
	v15 =	vadd.s32 v15, v17;
	v55 =	vor.u32 v53, v54  }
0x260: {  	v33 =	vadd.f32 v63, v25;
	v56 =	vshrl.u32 v18, $0x6;
	v17 =	vxor.u32 v15, v55  }
0x261: {  	v57 =	vshll.u32 v18, $0x1A;
	v14 =	vadd.s32 v14, v18;
	v17 =	vadd.s32 $0x4, v17  }
0x262: {  	v58 =	vor.u32 v56, v57;
	v59 =	vshrl.u32 v17, $0xF;
	v60 =	vshll.u32 v17, $0x11  }
0x263: {  	v18 =	vxor.u32 v14, v58;
	v15 =	vadd.s32 v15, v17;
	v62 =	vor.u32 v59, v60  }
0x264: {  	v61 =	vshrl.u32 v18, $0x1A;
	v24 =	vshll.u32 v18, $0x6;
	v17 =	vxor.u32 v15, v62  }
0x265: {  	v29 =	vld [tilespmem:s19+$0x100];
	v14 =	vadd.s32 v14, v18;
	v26 =	vshrl.u32 v17, $0x3;
	v27 =	vshll.u32 v17, $0x1D  }
0x266: {  	v16 =	vor.u32 v61, v24;
	v15 =	vadd.s32 v15, v17;
	v28 =	vor.u32 v26, v27  }
0x267: {  	v16 =	vxor.u32 v14, v16;
	v14 =	vadd.s32 $0x1BD11BDB, v14;
	v17 =	vxor.u32 v15, v28  }
0x268: {  	v16 =	vadd.s32 $0x5, v16;
	v30 =	vshrl.u32 v17, $0x10;
	v31 =	vshll.u32 v17, $0x10  }
0x269: {  	v32 =	vld [tilespmem:s19+$0x180];
	v14 =	vxor.u32 v14, v16;
	v15 =	vadd.s32 v15, v17;
	v16 =	vor.u32 v30, v31  }
0x26a: {  	v35 =	vadd.f32 v29, v33;
	v14 =	vshrl.u32 v14, $0x9;
	v16 =	vxor.u32 v15, v16  }
0x26b: {  	v14 =	vor.u32 $0x3F800000, v14;
	v34 =	vshrl.u32 v16, $0x8;
	v23 =	vshll.u32 v16, $0x18  }
0x26c: {  	v14 =	vadd.f32 $-1.000000000e+00, v14;
	v15 =	vadd.s32 v15, v16;
	v21 =	vor.u32 v34, v23  }
0x26d: {  	v12 =	vsel vm2, v12, v13;
	v36 =	vxor.u32 v15, v21  }
0x26e: {  	v37 =	vadd.f32 v32, v35;
	vm15 =	vgt.f32 v14, v25;
	v13 =	vadd.s32 $0x1BD11BDF, v36  }
0x26f: {  	v15 =	vadd.s32 v13, v15;
	v38 =	vshrl.u32 v13, $0x13;
	v13 =	vshll.u32 v13, $0xD  }
0x270: {  	vm8 =	vgt.f32 v14, v33;
	v15 =	vadd.s32 $0x1, v15;
	v13 =	vor.u32 v38, v13  }
0x271: {  	vm5 =	vgt.f32 v14, v35;
	vm4 =	vgt.f32 v14, v37;
	v13 =	vxor.u32 v15, v13  }
0x272: {  	v39 =	vsel vm15, $0x1, v1;
	v40 =	vshrl.u32 v13, $0x11;
	v41 =	vshll.u32 v13, $0xF  }
0x273: {  	v42 =	vsel vm8, $0x1, v1;
	v13 =	vadd.s32 v15, v13;
	v14 =	vor.u32 v40, v41  }
0x274: {  	v44 =	vsel vm5, $0x1, v1;
	v47 =	vsel vm4, $0x1, v1;
	v14 =	vxor.u32 v13, v14  }
0x275: {  	v43 =	vadd.s32 v39, v42;
	v45 =	vshrl.u32 v14, $0x6;
	v46 =	vshll.u32 v14, $0x1A  }
0x276: {  	s26 =	sadd.s32 $0x40, s23;
	v15 =	vadd.s32 v44, v43;
	v13 =	vadd.s32 v13, v14;
	v48 =	vor.u32 v45, v46  }
0x277: {  	s29 =	sand.u32 $0x70, s18;
	s28 =	sshra.s32 s23, $0x2;
	s30 =	sand.u32 $0xFE00, s26;
	v49 =	vsel vm1, v10, v12;
	v15 =	vadd.s32 v47, v15;
	v14 =	vxor.u32 v13, v48  }
0x278: {  	s18 =	sor.u32 s29, s30;
	v12 =	vld [tilespmem:s22+$0xF400];
	v10 =	vsel vm0, v11, v49;
	[tilespmem:s28+$0x13100] =	vst v15;
	v50 =	vshrl.u32 v14, $0x1A;
	v51 =	vshll.u32 v14, $0x6  }
0x279: {  	v52 =	vand.u32 $0x7FFFFF, v10;
	v53 =	vld [tilespmem:s18+$0x80];
	v13 =	vadd.s32 v13, v14;
	v11 =	vor.u32 v50, v51  }
0x27a: {  	v54 =	vor.u32 $0x3F800000, v52;
	v55 =	vld [tilespmem:s18+$0x0];
	v11 =	vxor.u32 v13, v11  }
0x27b: {  	v16 =	vmul.f32 $5.000000000e-01, v54;
	v13 =	vadd.s32 $0x1BD11BDB, v13;
	v11 =	vadd.s32 $0x5, v11  }
0x27c: {  	vm9 =	vgt.f32 v54, $1.414213540e+00;
	v56 =	vld [tilespmem:s18+$0x100];
	v11 =	vxor.u32 v13, v11  }
0x27d: {  	v57 =	vsel vm9, v16, v54;
	v11 =	vshrl.u32 v11, $0x9  }
0x27e: {  	v14 =	vadd.f32 $1.000000000e+00, v57;
	v11 =	vor.u32 $0x3F800000, v11  }
0x27f: {  	v58 =	vld [tilespmem:s18+$0x180];
	v59 =	vadd.f32 v53, v55;
	v11 =	vadd.f32 $-1.000000000e+00, v11  }
0x280: {  	v60 =	vsel vm15, v63, v25;
	(erf) = vrcp.f32 v14  }
0x281: {  	v14 =	vsel vm8, v29, v60;
	v61 =	vadd.f32 v56, v59;
	vm10 =	vgt.f32 v11, v55  }
0x282: {  	v14 =	vsel vm5, v32, v14;
	vm11 =	vgt.f32 v11, v59;
	v15 =	vsel vm10, v53, v55  }
0x283: {  	v62 =	vand.u32 $0x7FFFFF, v14;
	vm12 =	vgt.f32 v11, v61;
	v15 =	vsel vm11, v56, v15  }
0x284: {  	v17 =	vor.u32 $0x3F800000, v62;
	v15 =	vsel vm12, v58, v15  }
0x285: {  	v63 =	vmul.f32 $5.000000000e-01, v17;
	v24 =	vand.u32 $0x7FFFFF, v15  }
0x286: {  	vm13 =	vgt.f32 v17, $1.414213540e+00;
	v20 =	vor.u32 $0x3F800000, v24  }
0x287: {  	v17 =	vsel vm13, v63, v17;
	v25 =	vmul.f32 $5.000000000e-01, v20  }
0x288: {  	v26 =	vadd.f32 $1.000000000e+00, v17;
	vm14 =	vgt.f32 v20, $1.414213540e+00  }
0x289: {  	v19 =	vsel vm14, v25, v20  }
0x28a: {  	(erf) = vrcp.f32 v26;
	v20 =	vadd.f32 $1.000000000e+00, v19  }
0x28b: {  	v9 =	vadd.f32 $6.666666860e-01, v9  }
0x28c: {  	v27 =	vpop (erf);
	(erf) = vrcp.f32 v20  }
0x28d: {  	v8 =	vmul.f32 v9, v8;
	_ =	sdelay $0x1  }
0x28e: {  	v8 =	vadd.f32 $2.000000000e+00, v8;
	v13 =	vadd.f32 $-1.000000000e+00, v57  }
0x28f: {  	v4 =	vmul.f32 v4, v6;
	v10 =	vshrl.u32 v10, $0x17  }
0x290: {  	v5 =	vmul.f32 v8, v5;
	v10 =	vand.u32 $0xFF, v10;
	v13 =	vmul.f32 v27, v13  }
0x291: {  	v2 =	vadd.f32 v4, v2;
	v10 =	vadd.s32 $0xFFFFFF81, v10;
	v31 =	vadd.f32 $-1.000000000e+00, v17  }
0x292: {  	v3 =	vadd.f32 v5, v3;
	v10 =	vcvt.s32.f32 v10;
	v28 =	vmul.f32 v13, v13;
	v32 =	vpop (erf)  }
0x293: {  	v30 =	vshrl.u32 v14, $0x17;
	v34 =	vadd.f32 $-1.000000000e+00, v19;
	v14 =	vmul.f32 v32, v31  }
0x294: {  	v3 =	vmul.f32 v3, v7;
	v33 =	vadd.f32 $1.000000000e+00, v10;
	v29 =	vmul.f32 $2.857142980e-01, v28;
	v36 =	vpop (erf)  }
0x295: {  	v37 =	vmul.f32 v14, v14;
	v17 =	vmul.f32 v36, v34  }
0x296: {  	v2 =	vadd.f32 v3, v2;
	v10 =	vsel vm9, v33, v10;
	v9 =	vand.u32 $0xFF, v30  }
0x297: {  	v21 =	vadd.f32 $4.000000060e-01, v29;
	v40 =	vmul.f32 $2.857142980e-01, v37;
	v41 =	vmul.f32 v17, v17  }
0x298: {  	v47 =	vmul.f32 $6.931471820e-01, v10;
	v9 =	vadd.s32 $0xFFFFFF81, v9;
	v50 =	vshrl.u32 v15, $0x17  }
0x299: {  	v35 =	vmul.f32 v21, v28;
	v44 =	vadd.f32 $4.000000060e-01, v40;
	v45 =	vmul.f32 $2.857142980e-01, v41  }
0x29a: {  	v51 =	vadd.f32 v58, v61;
	v9 =	vcvt.s32.f32 v9;
	v6 =	vand.u32 $0xFF, v50  }
0x29b: {  	v38 =	vadd.f32 $6.666666860e-01, v35;
	v48 =	vmul.f32 v44, v37;
	v49 =	vadd.f32 $4.000000060e-01, v45  }
0x29c: {  	v39 =	vadd.f32 $1.000000000e+00, v9;
	vm15 =	vgt.f32 v11, v51;
	v6 =	vadd.s32 $0xFFFFFF81, v6  }
0x29d: {  	v42 =	vmul.f32 v38, v28;
	v7 =	vadd.f32 $6.666666860e-01, v48;
	v8 =	vmul.f32 v49, v41  }
0x29e: {  	v52 =	vsel vm10, $0x1, v1;
	v53 =	vsel vm11, $0x1, v1;
	v6 =	vcvt.s32.f32 v6  }
0x29f: {  	v46 =	vadd.f32 $2.000000000e+00, v42;
	v7 =	vmul.f32 v7, v37;
	v8 =	vadd.f32 $6.666666860e-01, v8  }
0x2a0: {  	v57 =	vsel vm12, $0x1, v1;
	v43 =	vsel vm13, v39, v9;
	v58 =	vadd.f32 $1.000000000e+00, v6  }
0x2a1: {  	v4 =	vmul.f32 v46, v13;
	v54 =	vadd.f32 $2.000000000e+00, v7;
	v55 =	vmul.f32 v8, v41  }
0x2a2: {  	v56 =	vld [tilespmem:s28+$0xF400];
	v9 =	vadd.s32 v52, v53;
	v3 =	vmul.f32 $6.931471820e-01, v43;
	v6 =	vsel vm14, v58, v6  }
0x2a3: {  	s31 =	sshra.s32 s26, $0x2;
	v4 =	vadd.f32 v4, v47;
	v5 =	vmul.f32 v54, v14;
	v7 =	vadd.f32 $2.000000000e+00, v55  }
0x2a4: {  	v60 =	vld [tilespmem:s31+$0xF400];
	v59 =	vsel vm15, $0x1, v1;
	v9 =	vadd.s32 v57, v9;
	v6 =	vmul.f32 $6.931471820e-01, v6  }
0x2a5: {  	v4 =	vmul.f32 v4, v12;
	v3 =	vadd.f32 v5, v3;
	v61 =	vmul.f32 v7, v17  }
0x2a6: {  	v62 =	vadd.s32 v59, v9  }
0x2a7: {  	v2 =	vadd.f32 v4, v2;
	v3 =	vmul.f32 v3, v56;
	v63 =	vadd.f32 v61, v6  }
0x2a8: {  	[tilespmem:s31+$0x13100] =	vst v62  }
0x2a9: {  	[hbm4b:s8+s2] =	stream.linear.scatter [tilespmem:s15], [sflag:$0x1], $0x3D00, $0x38;
	v2 =	vadd.f32 v3, v2;
	v3 =	vmul.f32 v63, v60;
	[tilespmem:$0x16E80] =	vst v63  }
0x2aa: {  	_ =	swait.ge [sflag:s13], $0x3D00  }
0x2ab: {  	s17 =	sadd.s32 $0x1, s17;
	[sflag:s13] =	ssyncset.done $0x0;
	v2 =	vadd.f32 v3, v2  }
0x2ac: {  	p0 =	sne.s32 s17, s10;
	[sflag:s13] =	ssyncadd.s32 $0xFFFFC300  }
.Ltmp2:
0x2ad: {  	[tilespmem:$0x16E00] =	vst v2;
	(pc) =	sbr.rel @p0 .LBB2_1-.Ltmp2, $4  }
0x2ae: {  	[hbm4b:s9+s2] =	stream.linear.scatter [tilespmem:s16], [sflag:$0x1], $0x80, $0x38;
	[tilespmem:$0x16E80] =	vst v63  }
0x2af: {  	_ =	swait.ge [sflag:s13], $0x80  }
0x2b0: {  	[sflag:s13] =	ssyncset.done $0x0  }
0x2b1: {  	[sflag:s13] =	ssyncadd.s32 $0xFFFFFF80  }
0x2b2: {  	_ =	sfence.sel $0x180000  }
0x2b3: {  	[bflag:$0x0] =	sbarrier.arrive $0xFFFF  }
0x2b4: {  	p0 =	sne.s32 s0, $0x0;
	_ =	strace $0x90000047  }
0x2b5: {  	s0 =	sadd.s32 @!p0 $0x100000, s1;
	[bflag:$0x2] =	sbarrier.arrive $0xFFFF  }
0x2b6: {  	[sflag:s0] =	ssyncadd.tile.s32 @!p0 $0x1;
	_ =	shalt  }
.Lfunc_end2:
_tile_overlayer_lowered:
.L_overlay_start_2:
0x2b7: {  	(tag) =	ssettag $0x2  }
0x2b8: {  	s0 =	rddreg [dreg:$0x0];
	s2 =	stileid.u32  }
0x2b9: {  	s1 =	rddreg [dreg:$0x1];
	p0 =	sne.s32 s2, $0x0  }
0x2ba: {  	s3 =	rddreg [dreg:$0x2];
	[bflag:$0x3] =	sbarrier.arrive $0xFFFF;
	s2 =	simm.s32 @!p0 $0x1C01  }
0x2bb: {  	[timem:s3], [sflag:s2] =	dma.local @!p0 [hbm:s0], s1  }
0x2bc: {  	s0 =	simm.s32 @!p0 $0x1  }
0x2bd: {  	_ =	swait.ge @!p0 [sflag:s0], s1  }
0x2be: {  	s1 =	ssub.s32 @!p0 $0x0, s1;
	[sflag:s0] =	ssyncset.done @!p0 $0x0  }
0x2bf: {  	[sflag:s0] =	ssyncadd.s32 @!p0 s1  }
0x2c0: {  	[bflag:$0x3] =	sbarrier.arrive $0xFFFF  }
0x2c1: {  	_ =	shalt  }

</sc_bundles>
